<compile_context>
chip_gen: v7x
topology: tpu7x:2x2x1
jax: 0.10.2.dev20260603
libtpu: 0.0.44.dev20260713+nightly
codegen_flags: <defaults>
</compile_context>

<pallas_src>
import functools

import jax
import jax.numpy as jnp
from jax import lax
from jax.experimental import pallas as pl
from jax.experimental.pallas import tpu as pltpu
from jax.experimental.pallas import tpu_sc as plsc

D = 32
V = 1000000
B_TOTAL = 4096 * 200
NC = 2
NS = 16
NW = NC * NS

B_PER_W = B_TOTAL // NW
CHUNK = 1280
N_CHUNKS = B_PER_W // CHUNK

FQ = 80
F_PER_W = (B_TOTAL // 4) // NW
F_CHUNKS = F_PER_W // FQ



def _emb_body(x_hbm, w_hbm, out_hbm, idx_all, rows0, rows1,
              sg0, sg1, sw0, sw1):
    wid = lax.axis_index("s") * NC + lax.axis_index("c")
    base = wid * B_PER_W
    pltpu.sync_copy(x_hbm.at[pl.ds(base, B_PER_W)], idx_all)

    rows = (rows0, rows1)
    sg = (sg0, sg1)
    sw = (sw0, sw1)

    def start_gather(j):
        return pltpu.async_copy(
            w_hbm.at[idx_all.at[pl.ds(j * CHUNK, CHUNK)]], rows[j & 1],
            sg[j & 1])

    def start_write(j):
        return pltpu.async_copy(
            rows[j & 1], out_hbm.at[pl.ds(base + j * CHUNK, CHUNK)],
            sw[j & 1])

    gathers = [None] * N_CHUNKS
    writes = [None] * N_CHUNKS
    for j in range(N_CHUNKS):
        if j >= 2:
            writes[j - 2].wait()
        gathers[j] = start_gather(j)
        if j >= 1:
            gathers[j - 1].wait()
            writes[j - 1] = start_write(j - 1)
    gathers[N_CHUNKS - 1].wait()
    writes[N_CHUNKS - 1] = start_write(N_CHUNKS - 1)
    writes[N_CHUNKS - 2].wait()
    writes[N_CHUNKS - 1].wait()


@jax.jit
def _emb_call(x_flat, weight):
    fn = functools.partial(
        pl.kernel,
        mesh=plsc.VectorSubcoreMesh(core_axis_name="c", subcore_axis_name="s"),
        out_type=jax.ShapeDtypeStruct((B_TOTAL, D), jnp.float32),
        scratch_types=[
            pltpu.VMEM((B_PER_W,), jnp.int32),
            pltpu.VMEM((CHUNK, D), jnp.float32),
            pltpu.VMEM((CHUNK, D), jnp.float32),
            pltpu.SemaphoreType.DMA,
            pltpu.SemaphoreType.DMA,
            pltpu.SemaphoreType.DMA,
            pltpu.SemaphoreType.DMA,
        ],
        compiler_params=pltpu.CompilerParams(use_tc_tiling_on_sc=False),
    )(_emb_body)
    return fn(x_flat, weight)


def _fmt_body(l2_hbm, ow_hbm, a0, a1, b0, b1, sr0, sr1, sw0, sw1):
    wid = lax.axis_index("s") * NC + lax.axis_index("c")
    base2 = wid * F_PER_W

    bufa = (a0, a1)
    bufb = (b0, b1)
    srs = (sr0, sr1)
    sws = (sw0, sw1)

    def vec2(i, a, b):
        del i

        def body(k, carry):
            q0 = k * 8
            for r in range(8):
                q = q0 + r
                for c0 in range(0, 128, 16):
                    b[4 * q + c0 // 32, pl.ds(c0 % 32, 16)] = (
                        a[q, pl.ds(c0, 16)])
            return carry

        lax.fori_loop(0, FQ // 8, body, 0)

    def rd_t(i, bi):
        return pltpu.make_async_copy(
            l2_hbm.at[pl.ds(base2 + i * FQ, FQ), :], bufa[bi], srs[bi])

    def wr_t(i, bi):
        return pltpu.make_async_copy(
            bufb[bi],
            ow_hbm.at[pl.ds(4 * (base2 + i * FQ), 4 * FQ), :], sws[bi])

    rd_t(0, 0).start()

    def outer(k, carry):
        i0 = 2 * k
        i1 = i0 + 1
        rd_t(i1, 1).start()

        @pl.when(k > 0)
        def _():
            wr_t(i0 - 2, 0).wait()
        rd_t(i0, 0).wait()
        vec2(i0, bufa[0], bufb[0])
        wr_t(i0, 0).start()

        @pl.when(k < F_CHUNKS // 2 - 1)
        def _():
            rd_t(i0 + 2, 0).start()

        @pl.when(k > 0)
        def _():
            wr_t(i1 - 2, 1).wait()
        rd_t(i1, 1).wait()
        vec2(i1, bufa[1], bufb[1])
        wr_t(i1, 1).start()
        return carry

    lax.fori_loop(0, F_CHUNKS // 2, outer, 0)
    wr_t(F_CHUNKS - 2, 0).wait()
    wr_t(F_CHUNKS - 1, 1).wait()


@jax.jit
def _fmt_call(l2):
    fn = functools.partial(
        pl.kernel,
        mesh=plsc.VectorSubcoreMesh(core_axis_name="c", subcore_axis_name="s"),
        out_type=jax.ShapeDtypeStruct((B_TOTAL, D), jnp.float32),
        scratch_types=[
            pltpu.VMEM((FQ, 128), jnp.float32),
            pltpu.VMEM((FQ, 128), jnp.float32),
            pltpu.VMEM((4 * FQ, D), jnp.float32),
            pltpu.VMEM((4 * FQ, D), jnp.float32),
            pltpu.SemaphoreType.DMA,
            pltpu.SemaphoreType.DMA,
            pltpu.SemaphoreType.DMA,
            pltpu.SemaphoreType.DMA,
        ],
        compiler_params=pltpu.CompilerParams(use_tc_tiling_on_sc=True),
    )(_fmt_body)
    return fn(l2)


def kernel(x, weight):
    x_flat = x.reshape(-1).astype(jnp.int32) * 4
    wp = jnp.pad(weight, ((0, 0), (0, 96))).reshape(4 * V, D)
    lin = _emb_call(x_flat, wp)
    ow = _fmt_call(lin.reshape(B_TOTAL // 4, 128))
    return ow.reshape(x.shape + (weight.shape[1],))

# --- scband reference (transcript-rebuilt; emitter-appended) ---
"""Pipeline reference for scband-torch-embedding-65893388255867 (READ-ONLY COPY).

The authoritative reference and input builder live on the scoring server;
editing this copy changes nothing except your own understanding.
"""

import jax, jax.numpy as jnp
import numpy as np
from math import sqrt

NUM_EMBEDDINGS = 1000000
EMBEDDING_DIM = 32
INIT_CONSTANT = 1.0


def setup_inputs(seed: int = 0) -> dict:
    key = jax.random.key(seed)
    k_idx, k_w = jax.random.split(key)
    x = jax.random.randint(k_idx, (4096, 200), 0, NUM_EMBEDDINGS, dtype=jnp.int64 if jax.config.jax_enable_x64 else jnp.int32)
    std = INIT_CONSTANT / sqrt(EMBEDDING_DIM)
    weight = jax.random.normal(k_w, (NUM_EMBEDDINGS, EMBEDDING_DIM), dtype=jnp.float32) * std
    return {"x": x, "weight": weight}


def reference(x, weight):
    # nn.Embedding forward: row gather from the table
    return jnp.take(weight, x, axis=0)

if __name__ == "__main__":
    import jax
    _d = setup_inputs()
    print(jax.jit(kernel)(*tuple(_d.values())))

</pallas_src>

<mosaic_0001>
#map = affine_map<(d0, d1) -> (0)>
#map1 = affine_map<(d0, d1) -> (0, 0)>
module attributes {stable_mosaic.version = 14 : i64} {
  func.func @_emb_body(%arg0: i32, %arg1: i32, %arg2: memref<819200xi32, #tpu.memory_space<hbm>>, %arg3: memref<4000000x32xf32, #tpu.memory_space<hbm>>, %arg4: memref<819200x32xf32, #tpu.memory_space<hbm>>, %arg5: memref<25600xi32, #tpu.memory_space<vmem>>, %arg6: memref<1280x32xf32, #tpu.memory_space<vmem>>, %arg7: memref<1280x32xf32, #tpu.memory_space<vmem>>, %arg8: memref<!tpu.dma_semaphore, #tpu.memory_space<semaphore_mem>>, %arg9: memref<!tpu.dma_semaphore, #tpu.memory_space<semaphore_mem>>, %arg10: memref<!tpu.dma_semaphore, #tpu.memory_space<semaphore_mem>>, %arg11: memref<!tpu.dma_semaphore, #tpu.memory_space<semaphore_mem>>) attributes {dimension_semantics = [#tpu.dimension_semantics<core_parallel>, #tpu.dimension_semantics<subcore_parallel>], iteration_bounds = array<i64: 2, 16>, scalar_prefetch = 0 : i64, scratch_operands = 7 : i64, tpu.core_type = #tpu.core_type<sc_vector_subcore>, window_params = [{transform_indices = #map}, {transform_indices = #map1}, {transform_indices = #map1}]} {
    %mul3A = arith.constant 2 : i32
    %mul3A_0 = arith.muli %arg1, %mul3A : i32
    %add3A = arith.addi %mul3A_0, %arg0 : i32
    %mul3A_1 = arith.constant 25600 : i32
    %mul3A_2 = arith.muli %add3A, %mul3A_1 : i32
    "tpu.region"() ({
      %run_scoped3A = tpu.sem_alloc : memref<!tpu.dma_semaphore, #tpu.memory_space<semaphore_mem>>
      %dma_start3A_401 = tpu.memref_slice %arg2[%mul3A_2] : memref<819200xi32, #tpu.memory_space<hbm>> -> memref<25600xi32, #tpu.memory_space<hbm>>
      %dma_start3A_402 = tpu.memref_slice %arg2[%mul3A_2] : memref<819200xi32, #tpu.memory_space<hbm>> -> memref<25600xi32, #tpu.memory_space<hbm>>
      tpu.enqueue_dma source(%dma_start3A_402 : memref<25600xi32, #tpu.memory_space<hbm>>) target(%arg5 : memref<25600xi32, #tpu.memory_space<vmem>>) target_semaphore(%run_scoped3A : memref<!tpu.dma_semaphore, #tpu.memory_space<semaphore_mem>>)
      %dma_wait3A_403 = tpu.memref_slice %arg2[%mul3A_2] : memref<819200xi32, #tpu.memory_space<hbm>> -> memref<25600xi32, #tpu.memory_space<hbm>>
      %dma_wait3A_404 = tpu.memref_slice %arg2[%mul3A_2] : memref<819200xi32, #tpu.memory_space<hbm>> -> memref<25600xi32, #tpu.memory_space<hbm>>
      tpu.wait_dma2 semaphore(%run_scoped3A : memref<!tpu.dma_semaphore, #tpu.memory_space<semaphore_mem>>) src(%dma_wait3A_404 : memref<25600xi32, #tpu.memory_space<hbm>>) dst(%arg5 : memref<25600xi32, #tpu.memory_space<vmem>>)
      tpu.yield
    }) : () -> ()
    %dma_start3A = arith.constant 0 : i32
    %dma_start3A_3 = tpu.memref_slice %arg5[%dma_start3A] : memref<25600xi32, #tpu.memory_space<vmem>> -> memref<1280xi32, #tpu.memory_space<vmem>>
    %dma_start3A_4 = arith.constant 0 : i32
    %dma_start3A_5 = arith.constant 0 : i32
    %dma_start3A_6 = tpu.memref_slice %arg3[%dma_start3A_4, %dma_start3A_5] : memref<4000000x32xf32, #tpu.memory_space<hbm>> -> memref<4000000x32xf32, #tpu.memory_space<hbm>>
    tpu.enqueue_indirect_dma source(%dma_start3A_6 : memref<4000000x32xf32, #tpu.memory_space<hbm>>) target(%arg6 : memref<1280x32xf32, #tpu.memory_space<vmem>>) offsets(%dma_start3A_3 : memref<1280xi32, #tpu.memory_space<vmem>>) semaphore(%arg8 : memref<!tpu.dma_semaphore, #tpu.memory_space<semaphore_mem>>)
    %dma_start3A_7 = arith.constant 1280 : i32
    %dma_start3A_8 = tpu.memref_slice %arg5[%dma_start3A_7] : memref<25600xi32, #tpu.memory_space<vmem>> -> memref<1280xi32, #tpu.memory_space<vmem>>
    %dma_start3A_9 = arith.constant 0 : i32
    %dma_start3A_10 = arith.constant 0 : i32
    %dma_start3A_11 = tpu.memref_slice %arg3[%dma_start3A_9, %dma_start3A_10] : memref<4000000x32xf32, #tpu.memory_space<hbm>> -> memref<4000000x32xf32, #tpu.memory_space<hbm>>
    tpu.enqueue_indirect_dma source(%dma_start3A_11 : memref<4000000x32xf32, #tpu.memory_space<hbm>>) target(%arg7 : memref<1280x32xf32, #tpu.memory_space<vmem>>) offsets(%dma_start3A_8 : memref<1280xi32, #tpu.memory_space<vmem>>) semaphore(%arg9 : memref<!tpu.dma_semaphore, #tpu.memory_space<semaphore_mem>>)
    %dma_wait3A = arith.constant 0 : i32
    %dma_wait3A_12 = tpu.memref_slice %arg5[%dma_wait3A] : memref<25600xi32, #tpu.memory_space<vmem>> -> memref<1280xi32, #tpu.memory_space<vmem>>
    %dma_wait3A_13 = arith.constant 0 : i32
    %dma_wait3A_14 = arith.constant 0 : i32
    %dma_wait3A_15 = tpu.memref_slice %arg3[%dma_wait3A_13, %dma_wait3A_14] : memref<4000000x32xf32, #tpu.memory_space<hbm>> -> memref<4000000x32xf32, #tpu.memory_space<hbm>>
    tpu.wait_indirect_dma semaphore(%arg8 : memref<!tpu.dma_semaphore, #tpu.memory_space<semaphore_mem>>) src(%dma_wait3A_15 : memref<4000000x32xf32, #tpu.memory_space<hbm>>) dst(%arg6 : memref<1280x32xf32, #tpu.memory_space<vmem>>)
    %add3A_16 = arith.constant 0 : i32
    %add3A_17 = arith.addi %mul3A_2, %add3A_16 : i32
    %dma_start3A_18 = arith.constant 0 : i32
    %dma_start3A_19 = tpu.memref_slice %arg4[%add3A_17, %dma_start3A_18] : memref<819200x32xf32, #tpu.memory_space<hbm>> -> memref<1280x32xf32, #tpu.memory_space<hbm>>
    %dma_start3A_20 = arith.constant 0 : i32
    %dma_start3A_21 = tpu.memref_slice %arg4[%add3A_17, %dma_start3A_20] : memref<819200x32xf32, #tpu.memory_space<hbm>> -> memref<1280x32xf32, #tpu.memory_space<hbm>>
    tpu.enqueue_dma source(%arg6 : memref<1280x32xf32, #tpu.memory_space<vmem>>) target(%dma_start3A_21 : memref<1280x32xf32, #tpu.memory_space<hbm>>) target_semaphore(%arg10 : memref<!tpu.dma_semaphore, #tpu.memory_space<semaphore_mem>>)
    %dma_wait3A_22 = arith.constant 0 : i32
    %dma_wait3A_23 = tpu.memref_slice %arg4[%add3A_17, %dma_wait3A_22] : memref<819200x32xf32, #tpu.memory_space<hbm>> -> memref<1280x32xf32, #tpu.memory_space<hbm>>
    %dma_wait3A_24 = arith.constant 0 : i32
    %dma_wait3A_25 = tpu.memref_slice %arg4[%add3A_17, %dma_wait3A_24] : memref<819200x32xf32, #tpu.memory_space<hbm>> -> memref<1280x32xf32, #tpu.memory_space<hbm>>
    tpu.wait_dma2 semaphore(%arg10 : memref<!tpu.dma_semaphore, #tpu.memory_space<semaphore_mem>>) src(%arg6 : memref<1280x32xf32, #tpu.memory_space<vmem>>) dst(%dma_wait3A_25 : memref<1280x32xf32, #tpu.memory_space<hbm>>)
    %dma_start3A_26 = arith.constant 2560 : i32
    %dma_start3A_27 = tpu.memref_slice %arg5[%dma_start3A_26] : memref<25600xi32, #tpu.memory_space<vmem>> -> memref<1280xi32, #tpu.memory_space<vmem>>
    %dma_start3A_28 = arith.constant 0 : i32
    %dma_start3A_29 = arith.constant 0 : i32
    %dma_start3A_30 = tpu.memref_slice %arg3[%dma_start3A_28, %dma_start3A_29] : memref<4000000x32xf32, #tpu.memory_space<hbm>> -> memref<4000000x32xf32, #tpu.memory_space<hbm>>
    tpu.enqueue_indirect_dma source(%dma_start3A_30 : memref<4000000x32xf32, #tpu.memory_space<hbm>>) target(%arg6 : memref<1280x32xf32, #tpu.memory_space<vmem>>) offsets(%dma_start3A_27 : memref<1280xi32, #tpu.memory_space<vmem>>) semaphore(%arg8 : memref<!tpu.dma_semaphore, #tpu.memory_space<semaphore_mem>>)
    %dma_wait3A_31 = arith.constant 1280 : i32
    %dma_wait3A_32 = tpu.memref_slice %arg5[%dma_wait3A_31] : memref<25600xi32, #tpu.memory_space<vmem>> -> memref<1280xi32, #tpu.memory_space<vmem>>
    %dma_wait3A_33 = arith.constant 0 : i32
    %dma_wait3A_34 = arith.constant 0 : i32
    %dma_wait3A_35 = tpu.memref_slice %arg3[%dma_wait3A_33, %dma_wait3A_34] : memref<4000000x32xf32, #tpu.memory_space<hbm>> -> memref<4000000x32xf32, #tpu.memory_space<hbm>>
    tpu.wait_indirect_dma semaphore(%arg9 : memref<!tpu.dma_semaphore, #tpu.memory_space<semaphore_mem>>) src(%dma_wait3A_35 : memref<4000000x32xf32, #tpu.memory_space<hbm>>) dst(%arg7 : memref<1280x32xf32, #tpu.memory_space<vmem>>)
    %add3A_36 = arith.constant 1280 : i32
    %add3A_37 = arith.addi %mul3A_2, %add3A_36 : i32
    %dma_start3A_38 = arith.constant 0 : i32
    %dma_start3A_39 = tpu.memref_slice %arg4[%add3A_37, %dma_start3A_38] : memref<819200x32xf32, #tpu.memory_space<hbm>> -> memref<1280x32xf32, #tpu.memory_space<hbm>>
    %dma_start3A_40 = arith.constant 0 : i32
    %dma_start3A_41 = tpu.memref_slice %arg4[%add3A_37, %dma_start3A_40] : memref<819200x32xf32, #tpu.memory_space<hbm>> -> memref<1280x32xf32, #tpu.memory_space<hbm>>
    tpu.enqueue_dma source(%arg7 : memref<1280x32xf32, #tpu.memory_space<vmem>>) target(%dma_start3A_41 : memref<1280x32xf32, #tpu.memory_space<hbm>>) target_semaphore(%arg11 : memref<!tpu.dma_semaphore, #tpu.memory_space<semaphore_mem>>)
    %dma_wait3A_42 = arith.constant 0 : i32
    %dma_wait3A_43 = tpu.memref_slice %arg4[%add3A_37, %dma_wait3A_42] : memref<819200x32xf32, #tpu.memory_space<hbm>> -> memref<1280x32xf32, #tpu.memory_space<hbm>>
    %dma_wait3A_44 = arith.constant 0 : i32
    %dma_wait3A_45 = tpu.memref_slice %arg4[%add3A_37, %dma_wait3A_44] : memref<819200x32xf32, #tpu.memory_space<hbm>> -> memref<1280x32xf32, #tpu.memory_space<hbm>>
    tpu.wait_dma2 semaphore(%arg11 : memref<!tpu.dma_semaphore, #tpu.memory_space<semaphore_mem>>) src(%arg7 : memref<1280x32xf32, #tpu.memory_space<vmem>>) dst(%dma_wait3A_45 : memref<1280x32xf32, #tpu.memory_space<hbm>>)
    %dma_start3A_46 = arith.constant 3840 : i32
    %dma_start3A_47 = tpu.memref_slice %arg5[%dma_start3A_46] : memref<25600xi32, #tpu.memory_space<vmem>> -> memref<1280xi32, #tpu.memory_space<vmem>>
    %dma_start3A_48 = arith.constant 0 : i32
    %dma_start3A_49 = arith.constant 0 : i32
    %dma_start3A_50 = tpu.memref_slice %arg3[%dma_start3A_48, %dma_start3A_49] : memref<4000000x32xf32, #tpu.memory_space<hbm>> -> memref<4000000x32xf32, #tpu.memory_space<hbm>>
    tpu.enqueue_indirect_dma source(%dma_start3A_50 : memref<4000000x32xf32, #tpu.memory_space<hbm>>) target(%arg7 : memref<1280x32xf32, #tpu.memory_space<vmem>>) offsets(%dma_start3A_47 : memref<1280xi32, #tpu.memory_space<vmem>>) semaphore(%arg9 : memref<!tpu.dma_semaphore, #tpu.memory_space<semaphore_mem>>)
    %dma_wait3A_51 = arith.constant 2560 : i32
    %dma_wait3A_52 = tpu.memref_slice %arg5[%dma_wait3A_51] : memref<25600xi32, #tpu.memory_space<vmem>> -> memref<1280xi32, #tpu.memory_space<vmem>>
    %dma_wait3A_53 = arith.constant 0 : i32
    %dma_wait3A_54 = arith.constant 0 : i32
    %dma_wait3A_55 = tpu.memref_slice %arg3[%dma_wait3A_53, %dma_wait3A_54] : memref<4000000x32xf32, #tpu.memory_space<hbm>> -> memref<4000000x32xf32, #tpu.memory_space<hbm>>
    tpu.wait_indirect_dma semaphore(%arg8 : memref<!tpu.dma_semaphore, #tpu.memory_space<semaphore_mem>>) src(%dma_wait3A_55 : memref<4000000x32xf32, #tpu.memory_space<hbm>>) dst(%arg6 : memref<1280x32xf32, #tpu.memory_space<vmem>>)
    %add3A_56 = arith.constant 2560 : i32
    %add3A_57 = arith.addi %mul3A_2, %add3A_56 : i32
    %dma_start3A_58 = arith.constant 0 : i32
    %dma_start3A_59 = tpu.memref_slice %arg4[%add3A_57, %dma_start3A_58] : memref<819200x32xf32, #tpu.memory_space<hbm>> -> memref<1280x32xf32, #tpu.memory_space<hbm>>
    %dma_start3A_60 = arith.constant 0 : i32
    %dma_start3A_61 = tpu.memref_slice %arg4[%add3A_57, %dma_start3A_60] : memref<819200x32xf32, #tpu.memory_space<hbm>> -> memref<1280x32xf32, #tpu.memory_space<hbm>>
    tpu.enqueue_dma source(%arg6 : memref<1280x32xf32, #tpu.memory_space<vmem>>) target(%dma_start3A_61 : memref<1280x32xf32, #tpu.memory_space<hbm>>) target_semaphore(%arg10 : memref<!tpu.dma_semaphore, #tpu.memory_space<semaphore_mem>>)
    %dma_wait3A_62 = arith.constant 0 : i32
    %dma_wait3A_63 = tpu.memref_slice %arg4[%add3A_57, %dma_wait3A_62] : memref<819200x32xf32, #tpu.memory_space<hbm>> -> memref<1280x32xf32, #tpu.memory_space<hbm>>
    %dma_wait3A_64 = arith.constant 0 : i32
    %dma_wait3A_65 = tpu.memref_slice %arg4[%add3A_57, %dma_wait3A_64] : memref<819200x32xf32, #tpu.memory_space<hbm>> -> memref<1280x32xf32, #tpu.memory_space<hbm>>
    tpu.wait_dma2 semaphore(%arg10 : memref<!tpu.dma_semaphore, #tpu.memory_space<semaphore_mem>>) src(%arg6 : memref<1280x32xf32, #tpu.memory_space<vmem>>) dst(%dma_wait3A_65 : memref<1280x32xf32, #tpu.memory_space<hbm>>)
    %dma_start3A_66 = arith.constant 5120 : i32
    %dma_start3A_67 = tpu.memref_slice %arg5[%dma_start3A_66] : memref<25600xi32, #tpu.memory_space<vmem>> -> memref<1280xi32, #tpu.memory_space<vmem>>
    %dma_start3A_68 = arith.constant 0 : i32
    %dma_start3A_69 = arith.constant 0 : i32
    %dma_start3A_70 = tpu.memref_slice %arg3[%dma_start3A_68, %dma_start3A_69] : memref<4000000x32xf32, #tpu.memory_space<hbm>> -> memref<4000000x32xf32, #tpu.memory_space<hbm>>
    tpu.enqueue_indirect_dma source(%dma_start3A_70 : memref<4000000x32xf32, #tpu.memory_space<hbm>>) target(%arg6 : memref<1280x32xf32, #tpu.memory_space<vmem>>) offsets(%dma_start3A_67 : memref<1280xi32, #tpu.memory_space<vmem>>) semaphore(%arg8 : memref<!tpu.dma_semaphore, #tpu.memory_space<semaphore_mem>>)
    %dma_wait3A_71 = arith.constant 3840 : i32
    %dma_wait3A_72 = tpu.memref_slice %arg5[%dma_wait3A_71] : memref<25600xi32, #tpu.memory_space<vmem>> -> memref<1280xi32, #tpu.memory_space<vmem>>
    %dma_wait3A_73 = arith.constant 0 : i32
    %dma_wait3A_74 = arith.constant 0 : i32
    %dma_wait3A_75 = tpu.memref_slice %arg3[%dma_wait3A_73, %dma_wait3A_74] : memref<4000000x32xf32, #tpu.memory_space<hbm>> -> memref<4000000x32xf32, #tpu.memory_space<hbm>>
    tpu.wait_indirect_dma semaphore(%arg9 : memref<!tpu.dma_semaphore, #tpu.memory_space<semaphore_mem>>) src(%dma_wait3A_75 : memref<4000000x32xf32, #tpu.memory_space<hbm>>) dst(%arg7 : memref<1280x32xf32, #tpu.memory_space<vmem>>)
    %add3A_76 = arith.constant 3840 : i32
    %add3A_77 = arith.addi %mul3A_2, %add3A_76 : i32
    %dma_start3A_78 = arith.constant 0 : i32
    %dma_start3A_79 = tpu.memref_slice %arg4[%add3A_77, %dma_start3A_78] : memref<819200x32xf32, #tpu.memory_space<hbm>> -> memref<1280x32xf32, #tpu.memory_space<hbm>>
    %dma_start3A_80 = arith.constant 0 : i32
    %dma_start3A_81 = tpu.memref_slice %arg4[%add3A_77, %dma_start3A_80] : memref<819200x32xf32, #tpu.memory_space<hbm>> -> memref<1280x32xf32, #tpu.memory_space<hbm>>
    tpu.enqueue_dma source(%arg7 : memref<1280x32xf32, #tpu.memory_space<vmem>>) target(%dma_start3A_81 : memref<1280x32xf32, #tpu.memory_space<hbm>>) target_semaphore(%arg11 : memref<!tpu.dma_semaphore, #tpu.memory_space<semaphore_mem>>)
    %dma_wait3A_82 = arith.constant 0 : i32
    %dma_wait3A_83 = tpu.memref_slice %arg4[%add3A_77, %dma_wait3A_82] : memref<819200x32xf32, #tpu.memory_space<hbm>> -> memref<1280x32xf32, #tpu.memory_space<hbm>>
    %dma_wait3A_84 = arith.constant 0 : i32
    %dma_wait3A_85 = tpu.memref_slice %arg4[%add3A_77, %dma_wait3A_84] : memref<819200x32xf32, #tpu.memory_space<hbm>> -> memref<1280x32xf32, #tpu.memory_space<hbm>>
    tpu.wait_dma2 semaphore(%arg11 : memref<!tpu.dma_semaphore, #tpu.memory_space<semaphore_mem>>) src(%arg7 : memref<1280x32xf32, #tpu.memory_space<vmem>>) dst(%dma_wait3A_85 : memref<1280x32xf32, #tpu.memory_space<hbm>>)
    %dma_start3A_86 = arith.constant 6400 : i32
    %dma_start3A_87 = tpu.memref_slice %arg5[%dma_start3A_86] : memref<25600xi32, #tpu.memory_space<vmem>> -> memref<1280xi32, #tpu.memory_space<vmem>>
    %dma_start3A_88 = arith.constant 0 : i32
    %dma_start3A_89 = arith.constant 0 : i32
    %dma_start3A_90 = tpu.memref_slice %arg3[%dma_start3A_88, %dma_start3A_89] : memref<4000000x32xf32, #tpu.memory_space<hbm>> -> memref<4000000x32xf32, #tpu.memory_space<hbm>>
    tpu.enqueue_indirect_dma source(%dma_start3A_90 : memref<4000000x32xf32, #tpu.memory_space<hbm>>) target(%arg7 : memref<1280x32xf32, #tpu.memory_space<vmem>>) offsets(%dma_start3A_87 : memref<1280xi32, #tpu.memory_space<vmem>>) semaphore(%arg9 : memref<!tpu.dma_semaphore, #tpu.memory_space<semaphore_mem>>)
    %dma_wait3A_91 = arith.constant 5120 : i32
    %dma_wait3A_92 = tpu.memref_slice %arg5[%dma_wait3A_91] : memref<25600xi32, #tpu.memory_space<vmem>> -> memref<1280xi32, #tpu.memory_space<vmem>>
    %dma_wait3A_93 = arith.constant 0 : i32
    %dma_wait3A_94 = arith.constant 0 : i32
    %dma_wait3A_95 = tpu.memref_slice %arg3[%dma_wait3A_93, %dma_wait3A_94] : memref<4000000x32xf32, #tpu.memory_space<hbm>> -> memref<4000000x32xf32, #tpu.memory_space<hbm>>
    tpu.wait_indirect_dma semaphore(%arg8 : memref<!tpu.dma_semaphore, #tpu.memory_space<semaphore_mem>>) src(%dma_wait3A_95 : memref<4000000x32xf32, #tpu.memory_space<hbm>>) dst(%arg6 : memref<1280x32xf32, #tpu.memory_space<vmem>>)
    %add3A_96 = arith.constant 5120 : i32
    %add3A_97 = arith.addi %mul3A_2, %add3A_96 : i32
    %dma_start3A_98 = arith.constant 0 : i32
    %dma_start3A_99 = tpu.memref_slice %arg4[%add3A_97, %dma_start3A_98] : memref<819200x32xf32, #tpu.memory_space<hbm>> -> memref<1280x32xf32, #tpu.memory_space<hbm>>
    %dma_start3A_100 = arith.constant 0 : i32
    %dma_start3A_101 = tpu.memref_slice %arg4[%add3A_97, %dma_start3A_100] : memref<819200x32xf32, #tpu.memory_space<hbm>> -> memref<1280x32xf32, #tpu.memory_space<hbm>>
    tpu.enqueue_dma source(%arg6 : memref<1280x32xf32, #tpu.memory_space<vmem>>) target(%dma_start3A_101 : memref<1280x32xf32, #tpu.memory_space<hbm>>) target_semaphore(%arg10 : memref<!tpu.dma_semaphore, #tpu.memory_space<semaphore_mem>>)
    %dma_wait3A_102 = arith.constant 0 : i32
    %dma_wait3A_103 = tpu.memref_slice %arg4[%add3A_97, %dma_wait3A_102] : memref<819200x32xf32, #tpu.memory_space<hbm>> -> memref<1280x32xf32, #tpu.memory_space<hbm>>
    %dma_wait3A_104 = arith.constant 0 : i32
    %dma_wait3A_105 = tpu.memref_slice %arg4[%add3A_97, %dma_wait3A_104] : memref<819200x32xf32, #tpu.memory_space<hbm>> -> memref<1280x32xf32, #tpu.memory_space<hbm>>
    tpu.wait_dma2 semaphore(%arg10 : memref<!tpu.dma_semaphore, #tpu.memory_space<semaphore_mem>>) src(%arg6 : memref<1280x32xf32, #tpu.memory_space<vmem>>) dst(%dma_wait3A_105 : memref<1280x32xf32, #tpu.memory_space<hbm>>)
    %dma_start3A_106 = arith.constant 7680 : i32
    %dma_start3A_107 = tpu.memref_slice %arg5[%dma_start3A_106] : memref<25600xi32, #tpu.memory_space<vmem>> -> memref<1280xi32, #tpu.memory_space<vmem>>
    %dma_start3A_108 = arith.constant 0 : i32
    %dma_start3A_109 = arith.constant 0 : i32
    %dma_start3A_110 = tpu.memref_slice %arg3[%dma_start3A_108, %dma_start3A_109] : memref<4000000x32xf32, #tpu.memory_space<hbm>> -> memref<4000000x32xf32, #tpu.memory_space<hbm>>
    tpu.enqueue_indirect_dma source(%dma_start3A_110 : memref<4000000x32xf32, #tpu.memory_space<hbm>>) target(%arg6 : memref<1280x32xf32, #tpu.memory_space<vmem>>) offsets(%dma_start3A_107 : memref<1280xi32, #tpu.memory_space<vmem>>) semaphore(%arg8 : memref<!tpu.dma_semaphore, #tpu.memory_space<semaphore_mem>>)
    %dma_wait3A_111 = arith.constant 6400 : i32
    %dma_wait3A_112 = tpu.memref_slice %arg5[%dma_wait3A_111] : memref<25600xi32, #tpu.memory_space<vmem>> -> memref<1280xi32, #tpu.memory_space<vmem>>
    %dma_wait3A_113 = arith.constant 0 : i32
    %dma_wait3A_114 = arith.constant 0 : i32
    %dma_wait3A_115 = tpu.memref_slice %arg3[%dma_wait3A_113, %dma_wait3A_114] : memref<4000000x32xf32, #tpu.memory_space<hbm>> -> memref<4000000x32xf32, #tpu.memory_space<hbm>>
    tpu.wait_indirect_dma semaphore(%arg9 : memref<!tpu.dma_semaphore, #tpu.memory_space<semaphore_mem>>) src(%dma_wait3A_115 : memref<4000000x32xf32, #tpu.memory_space<hbm>>) dst(%arg7 : memref<1280x32xf32, #tpu.memory_space<vmem>>)
    %add3A_116 = arith.constant 6400 : i32
    %add3A_117 = arith.addi %mul3A_2, %add3A_116 : i32
    %dma_start3A_118 = arith.constant 0 : i32
    %dma_start3A_119 = tpu.memref_slice %arg4[%add3A_117, %dma_start3A_118] : memref<819200x32xf32, #tpu.memory_space<hbm>> -> memref<1280x32xf32, #tpu.memory_space<hbm>>
    %dma_start3A_120 = arith.constant 0 : i32
    %dma_start3A_121 = tpu.memref_slice %arg4[%add3A_117, %dma_start3A_120] : memref<819200x32xf32, #tpu.memory_space<hbm>> -> memref<1280x32xf32, #tpu.memory_space<hbm>>
    tpu.enqueue_dma source(%arg7 : memref<1280x32xf32, #tpu.memory_space<vmem>>) target(%dma_start3A_121 : memref<1280x32xf32, #tpu.memory_space<hbm>>) target_semaphore(%arg11 : memref<!tpu.dma_semaphore, #tpu.memory_space<semaphore_mem>>)
    %dma_wait3A_122 = arith.constant 0 : i32
    %dma_wait3A_123 = tpu.memref_slice %arg4[%add3A_117, %dma_wait3A_122] : memref<819200x32xf32, #tpu.memory_space<hbm>> -> memref<1280x32xf32, #tpu.memory_space<hbm>>
    %dma_wait3A_124 = arith.constant 0 : i32
    %dma_wait3A_125 = tpu.memref_slice %arg4[%add3A_117, %dma_wait3A_124] : memref<819200x32xf32, #tpu.memory_space<hbm>> -> memref<1280x32xf32, #tpu.memory_space<hbm>>
    tpu.wait_dma2 semaphore(%arg11 : memref<!tpu.dma_semaphore, #tpu.memory_space<semaphore_mem>>) src(%arg7 : memref<1280x32xf32, #tpu.memory_space<vmem>>) dst(%dma_wait3A_125 : memref<1280x32xf32, #tpu.memory_space<hbm>>)
    %dma_start3A_126 = arith.constant 8960 : i32
    %dma_start3A_127 = tpu.memref_slice %arg5[%dma_start3A_126] : memref<25600xi32, #tpu.memory_space<vmem>> -> memref<1280xi32, #tpu.memory_space<vmem>>
    %dma_start3A_128 = arith.constant 0 : i32
    %dma_start3A_129 = arith.constant 0 : i32
    %dma_start3A_130 = tpu.memref_slice %arg3[%dma_start3A_128, %dma_start3A_129] : memref<4000000x32xf32, #tpu.memory_space<hbm>> -> memref<4000000x32xf32, #tpu.memory_space<hbm>>
    tpu.enqueue_indirect_dma source(%dma_start3A_130 : memref<4000000x32xf32, #tpu.memory_space<hbm>>) target(%arg7 : memref<1280x32xf32, #tpu.memory_space<vmem>>) offsets(%dma_start3A_127 : memref<1280xi32, #tpu.memory_space<vmem>>) semaphore(%arg9 : memref<!tpu.dma_semaphore, #tpu.memory_space<semaphore_mem>>)
    %dma_wait3A_131 = arith.constant 7680 : i32
    %dma_wait3A_132 = tpu.memref_slice %arg5[%dma_wait3A_131] : memref<25600xi32, #tpu.memory_space<vmem>> -> memref<1280xi32, #tpu.memory_space<vmem>>
    %dma_wait3A_133 = arith.constant 0 : i32
    %dma_wait3A_134 = arith.constant 0 : i32
    %dma_wait3A_135 = tpu.memref_slice %arg3[%dma_wait3A_133, %dma_wait3A_134] : memref<4000000x32xf32, #tpu.memory_space<hbm>> -> memref<4000000x32xf32, #tpu.memory_space<hbm>>
    tpu.wait_indirect_dma semaphore(%arg8 : memref<!tpu.dma_semaphore, #tpu.memory_space<semaphore_mem>>) src(%dma_wait3A_135 : memref<4000000x32xf32, #tpu.memory_space<hbm>>) dst(%arg6 : memref<1280x32xf32, #tpu.memory_space<vmem>>)
    %add3A_136 = arith.constant 7680 : i32
    %add3A_137 = arith.addi %mul3A_2, %add3A_136 : i32
    %dma_start3A_138 = arith.constant 0 : i32
    %dma_start3A_139 = tpu.memref_slice %arg4[%add3A_137, %dma_start3A_138] : memref<819200x32xf32, #tpu.memory_space<hbm>> -> memref<1280x32xf32, #tpu.memory_space<hbm>>
    %dma_start3A_140 = arith.constant 0 : i32
    %dma_start3A_141 = tpu.memref_slice %arg4[%add3A_137, %dma_start3A_140] : memref<819200x32xf32, #tpu.memory_space<hbm>> -> memref<1280x32xf32, #tpu.memory_space<hbm>>
    tpu.enqueue_dma source(%arg6 : memref<1280x32xf32, #tpu.memory_space<vmem>>) target(%dma_start3A_141 : memref<1280x32xf32, #tpu.memory_space<hbm>>) target_semaphore(%arg10 : memref<!tpu.dma_semaphore, #tpu.memory_space<semaphore_mem>>)
    %dma_wait3A_142 = arith.constant 0 : i32
    %dma_wait3A_143 = tpu.memref_slice %arg4[%add3A_137, %dma_wait3A_142] : memref<819200x32xf32, #tpu.memory_space<hbm>> -> memref<1280x32xf32, #tpu.memory_space<hbm>>
    %dma_wait3A_144 = arith.constant 0 : i32
    %dma_wait3A_145 = tpu.memref_slice %arg4[%add3A_137, %dma_wait3A_144] : memref<819200x32xf32, #tpu.memory_space<hbm>> -> memref<1280x32xf32, #tpu.memory_space<hbm>>
    tpu.wait_dma2 semaphore(%arg10 : memref<!tpu.dma_semaphore, #tpu.memory_space<semaphore_mem>>) src(%arg6 : memref<1280x32xf32, #tpu.memory_space<vmem>>) dst(%dma_wait3A_145 : memref<1280x32xf32, #tpu.memory_space<hbm>>)
    %dma_start3A_146 = arith.constant 10240 : i32
    %dma_start3A_147 = tpu.memref_slice %arg5[%dma_start3A_146] : memref<25600xi32, #tpu.memory_space<vmem>> -> memref<1280xi32, #tpu.memory_space<vmem>>
    %dma_start3A_148 = arith.constant 0 : i32
    %dma_start3A_149 = arith.constant 0 : i32
    %dma_start3A_150 = tpu.memref_slice %arg3[%dma_start3A_148, %dma_start3A_149] : memref<4000000x32xf32, #tpu.memory_space<hbm>> -> memref<4000000x32xf32, #tpu.memory_space<hbm>>
    tpu.enqueue_indirect_dma source(%dma_start3A_150 : memref<4000000x32xf32, #tpu.memory_space<hbm>>) target(%arg6 : memref<1280x32xf32, #tpu.memory_space<vmem>>) offsets(%dma_start3A_147 : memref<1280xi32, #tpu.memory_space<vmem>>) semaphore(%arg8 : memref<!tpu.dma_semaphore, #tpu.memory_space<semaphore_mem>>)
    %dma_wait3A_151 = arith.constant 8960 : i32
    %dma_wait3A_152 = tpu.memref_slice %arg5[%dma_wait3A_151] : memref<25600xi32, #tpu.memory_space<vmem>> -> memref<1280xi32, #tpu.memory_space<vmem>>
    %dma_wait3A_153 = arith.constant 0 : i32
    %dma_wait3A_154 = arith.constant 0 : i32
    %dma_wait3A_155 = tpu.memref_slice %arg3[%dma_wait3A_153, %dma_wait3A_154] : memref<4000000x32xf32, #tpu.memory_space<hbm>> -> memref<4000000x32xf32, #tpu.memory_space<hbm>>
    tpu.wait_indirect_dma semaphore(%arg9 : memref<!tpu.dma_semaphore, #tpu.memory_space<semaphore_mem>>) src(%dma_wait3A_155 : memref<4000000x32xf32, #tpu.memory_space<hbm>>) dst(%arg7 : memref<1280x32xf32, #tpu.memory_space<vmem>>)
    %add3A_156 = arith.constant 8960 : i32
    %add3A_157 = arith.addi %mul3A_2, %add3A_156 : i32
    %dma_start3A_158 = arith.constant 0 : i32
    %dma_start3A_159 = tpu.memref_slice %arg4[%add3A_157, %dma_start3A_158] : memref<819200x32xf32, #tpu.memory_space<hbm>> -> memref<1280x32xf32, #tpu.memory_space<hbm>>
    %dma_start3A_160 = arith.constant 0 : i32
    %dma_start3A_161 = tpu.memref_slice %arg4[%add3A_157, %dma_start3A_160] : memref<819200x32xf32, #tpu.memory_space<hbm>> -> memref<1280x32xf32, #tpu.memory_space<hbm>>
    tpu.enqueue_dma source(%arg7 : memref<1280x32xf32, #tpu.memory_space<vmem>>) target(%dma_start3A_161 : memref<1280x32xf32, #tpu.memory_space<hbm>>) target_semaphore(%arg11 : memref<!tpu.dma_semaphore, #tpu.memory_space<semaphore_mem>>)
    %dma_wait3A_162 = arith.constant 0 : i32
    %dma_wait3A_163 = tpu.memref_slice %arg4[%add3A_157, %dma_wait3A_162] : memref<819200x32xf32, #tpu.memory_space<hbm>> -> memref<1280x32xf32, #tpu.memory_space<hbm>>
    %dma_wait3A_164 = arith.constant 0 : i32
    %dma_wait3A_165 = tpu.memref_slice %arg4[%add3A_157, %dma_wait3A_164] : memref<819200x32xf32, #tpu.memory_space<hbm>> -> memref<1280x32xf32, #tpu.memory_space<hbm>>
    tpu.wait_dma2 semaphore(%arg11 : memref<!tpu.dma_semaphore, #tpu.memory_space<semaphore_mem>>) src(%arg7 : memref<1280x32xf32, #tpu.memory_space<vmem>>) dst(%dma_wait3A_165 : memref<1280x32xf32, #tpu.memory_space<hbm>>)
    %dma_start3A_166 = arith.constant 11520 : i32
    %dma_start3A_167 = tpu.memref_slice %arg5[%dma_start3A_166] : memref<25600xi32, #tpu.memory_space<vmem>> -> memref<1280xi32, #tpu.memory_space<vmem>>
    %dma_start3A_168 = arith.constant 0 : i32
    %dma_start3A_169 = arith.constant 0 : i32
    %dma_start3A_170 = tpu.memref_slice %arg3[%dma_start3A_168, %dma_start3A_169] : memref<4000000x32xf32, #tpu.memory_space<hbm>> -> memref<4000000x32xf32, #tpu.memory_space<hbm>>
    tpu.enqueue_indirect_dma source(%dma_start3A_170 : memref<4000000x32xf32, #tpu.memory_space<hbm>>) target(%arg7 : memref<1280x32xf32, #tpu.memory_space<vmem>>) offsets(%dma_start3A_167 : memref<1280xi32, #tpu.memory_space<vmem>>) semaphore(%arg9 : memref<!tpu.dma_semaphore, #tpu.memory_space<semaphore_mem>>)
    %dma_wait3A_171 = arith.constant 10240 : i32
    %dma_wait3A_172 = tpu.memref_slice %arg5[%dma_wait3A_171] : memref<25600xi32, #tpu.memory_space<vmem>> -> memref<1280xi32, #tpu.memory_space<vmem>>
    %dma_wait3A_173 = arith.constant 0 : i32
    %dma_wait3A_174 = arith.constant 0 : i32
    %dma_wait3A_175 = tpu.memref_slice %arg3[%dma_wait3A_173, %dma_wait3A_174] : memref<4000000x32xf32, #tpu.memory_space<hbm>> -> memref<4000000x32xf32, #tpu.memory_space<hbm>>
    tpu.wait_indirect_dma semaphore(%arg8 : memref<!tpu.dma_semaphore, #tpu.memory_space<semaphore_mem>>) src(%dma_wait3A_175 : memref<4000000x32xf32, #tpu.memory_space<hbm>>) dst(%arg6 : memref<1280x32xf32, #tpu.memory_space<vmem>>)
    %add3A_176 = arith.constant 10240 : i32
    %add3A_177 = arith.addi %mul3A_2, %add3A_176 : i32
    %dma_start3A_178 = arith.constant 0 : i32
    %dma_start3A_179 = tpu.memref_slice %arg4[%add3A_177, %dma_start3A_178] : memref<819200x32xf32, #tpu.memory_space<hbm>> -> memref<1280x32xf32, #tpu.memory_space<hbm>>
    %dma_start3A_180 = arith.constant 0 : i32
    %dma_start3A_181 = tpu.memref_slice %arg4[%add3A_177, %dma_start3A_180] : memref<819200x32xf32, #tpu.memory_space<hbm>> -> memref<1280x32xf32, #tpu.memory_space<hbm>>
    tpu.enqueue_dma source(%arg6 : memref<1280x32xf32, #tpu.memory_space<vmem>>) target(%dma_start3A_181 : memref<1280x32xf32, #tpu.memory_space<hbm>>) target_semaphore(%arg10 : memref<!tpu.dma_semaphore, #tpu.memory_space<semaphore_mem>>)
    %dma_wait3A_182 = arith.constant 0 : i32
    %dma_wait3A_183 = tpu.memref_slice %arg4[%add3A_177, %dma_wait3A_182] : memref<819200x32xf32, #tpu.memory_space<hbm>> -> memref<1280x32xf32, #tpu.memory_space<hbm>>
    %dma_wait3A_184 = arith.constant 0 : i32
    %dma_wait3A_185 = tpu.memref_slice %arg4[%add3A_177, %dma_wait3A_184] : memref<819200x32xf32, #tpu.memory_space<hbm>> -> memref<1280x32xf32, #tpu.memory_space<hbm>>
    tpu.wait_dma2 semaphore(%arg10 : memref<!tpu.dma_semaphore, #tpu.memory_space<semaphore_mem>>) src(%arg6 : memref<1280x32xf32, #tpu.memory_space<vmem>>) dst(%dma_wait3A_185 : memref<1280x32xf32, #tpu.memory_space<hbm>>)
    %dma_start3A_186 = arith.constant 12800 : i32
    %dma_start3A_187 = tpu.memref_slice %arg5[%dma_start3A_186] : memref<25600xi32, #tpu.memory_space<vmem>> -> memref<1280xi32, #tpu.memory_space<vmem>>
    %dma_start3A_188 = arith.constant 0 : i32
    %dma_start3A_189 = arith.constant 0 : i32
    %dma_start3A_190 = tpu.memref_slice %arg3[%dma_start3A_188, %dma_start3A_189] : memref<4000000x32xf32, #tpu.memory_space<hbm>> -> memref<4000000x32xf32, #tpu.memory_space<hbm>>
    tpu.enqueue_indirect_dma source(%dma_start3A_190 : memref<4000000x32xf32, #tpu.memory_space<hbm>>) target(%arg6 : memref<1280x32xf32, #tpu.memory_space<vmem>>) offsets(%dma_start3A_187 : memref<1280xi32, #tpu.memory_space<vmem>>) semaphore(%arg8 : memref<!tpu.dma_semaphore, #tpu.memory_space<semaphore_mem>>)
    %dma_wait3A_191 = arith.constant 11520 : i32
    %dma_wait3A_192 = tpu.memref_slice %arg5[%dma_wait3A_191] : memref<25600xi32, #tpu.memory_space<vmem>> -> memref<1280xi32, #tpu.memory_space<vmem>>
    %dma_wait3A_193 = arith.constant 0 : i32
    %dma_wait3A_194 = arith.constant 0 : i32
    %dma_wait3A_195 = tpu.memref_slice %arg3[%dma_wait3A_193, %dma_wait3A_194] : memref<4000000x32xf32, #tpu.memory_space<hbm>> -> memref<4000000x32xf32, #tpu.memory_space<hbm>>
    tpu.wait_indirect_dma semaphore(%arg9 : memref<!tpu.dma_semaphore, #tpu.memory_space<semaphore_mem>>) src(%dma_wait3A_195 : memref<4000000x32xf32, #tpu.memory_space<hbm>>) dst(%arg7 : memref<1280x32xf32, #tpu.memory_space<vmem>>)
    %add3A_196 = arith.constant 11520 : i32
    %add3A_197 = arith.addi %mul3A_2, %add3A_196 : i32
    %dma_start3A_198 = arith.constant 0 : i32
    %dma_start3A_199 = tpu.memref_slice %arg4[%add3A_197, %dma_start3A_198] : memref<819200x32xf32, #tpu.memory_space<hbm>> -> memref<1280x32xf32, #tpu.memory_space<hbm>>
    %dma_start3A_200 = arith.constant 0 : i32
    %dma_start3A_201 = tpu.memref_slice %arg4[%add3A_197, %dma_start3A_200] : memref<819200x32xf32, #tpu.memory_space<hbm>> -> memref<1280x32xf32, #tpu.memory_space<hbm>>
    tpu.enqueue_dma source(%arg7 : memref<1280x32xf32, #tpu.memory_space<vmem>>) target(%dma_start3A_201 : memref<1280x32xf32, #tpu.memory_space<hbm>>) target_semaphore(%arg11 : memref<!tpu.dma_semaphore, #tpu.memory_space<semaphore_mem>>)
    %dma_wait3A_202 = arith.constant 0 : i32
    %dma_wait3A_203 = tpu.memref_slice %arg4[%add3A_197, %dma_wait3A_202] : memref<819200x32xf32, #tpu.memory_space<hbm>> -> memref<1280x32xf32, #tpu.memory_space<hbm>>
    %dma_wait3A_204 = arith.constant 0 : i32
    %dma_wait3A_205 = tpu.memref_slice %arg4[%add3A_197, %dma_wait3A_204] : memref<819200x32xf32, #tpu.memory_space<hbm>> -> memref<1280x32xf32, #tpu.memory_space<hbm>>
    tpu.wait_dma2 semaphore(%arg11 : memref<!tpu.dma_semaphore, #tpu.memory_space<semaphore_mem>>) src(%arg7 : memref<1280x32xf32, #tpu.memory_space<vmem>>) dst(%dma_wait3A_205 : memref<1280x32xf32, #tpu.memory_space<hbm>>)
    %dma_start3A_206 = arith.constant 14080 : i32
    %dma_start3A_207 = tpu.memref_slice %arg5[%dma_start3A_206] : memref<25600xi32, #tpu.memory_space<vmem>> -> memref<1280xi32, #tpu.memory_space<vmem>>
    %dma_start3A_208 = arith.constant 0 : i32
    %dma_start3A_209 = arith.constant 0 : i32
    %dma_start3A_210 = tpu.memref_slice %arg3[%dma_start3A_208, %dma_start3A_209] : memref<4000000x32xf32, #tpu.memory_space<hbm>> -> memref<4000000x32xf32, #tpu.memory_space<hbm>>
    tpu.enqueue_indirect_dma source(%dma_start3A_210 : memref<4000000x32xf32, #tpu.memory_space<hbm>>) target(%arg7 : memref<1280x32xf32, #tpu.memory_space<vmem>>) offsets(%dma_start3A_207 : memref<1280xi32, #tpu.memory_space<vmem>>) semaphore(%arg9 : memref<!tpu.dma_semaphore, #tpu.memory_space<semaphore_mem>>)
    %dma_wait3A_211 = arith.constant 12800 : i32
    %dma_wait3A_212 = tpu.memref_slice %arg5[%dma_wait3A_211] : memref<25600xi32, #tpu.memory_space<vmem>> -> memref<1280xi32, #tpu.memory_space<vmem>>
    %dma_wait3A_213 = arith.constant 0 : i32
    %dma_wait3A_214 = arith.constant 0 : i32
    %dma_wait3A_215 = tpu.memref_slice %arg3[%dma_wait3A_213, %dma_wait3A_214] : memref<4000000x32xf32, #tpu.memory_space<hbm>> -> memref<4000000x32xf32, #tpu.memory_space<hbm>>
    tpu.wait_indirect_dma semaphore(%arg8 : memref<!tpu.dma_semaphore, #tpu.memory_space<semaphore_mem>>) src(%dma_wait3A_215 : memref<4000000x32xf32, #tpu.memory_space<hbm>>) dst(%arg6 : memref<1280x32xf32, #tpu.memory_space<vmem>>)
    %add3A_216 = arith.constant 12800 : i32
    %add3A_217 = arith.addi %mul3A_2, %add3A_216 : i32
    %dma_start3A_218 = arith.constant 0 : i32
    %dma_start3A_219 = tpu.memref_slice %arg4[%add3A_217, %dma_start3A_218] : memref<819200x32xf32, #tpu.memory_space<hbm>> -> memref<1280x32xf32, #tpu.memory_space<hbm>>
    %dma_start3A_220 = arith.constant 0 : i32
    %dma_start3A_221 = tpu.memref_slice %arg4[%add3A_217, %dma_start3A_220] : memref<819200x32xf32, #tpu.memory_space<hbm>> -> memref<1280x32xf32, #tpu.memory_space<hbm>>
    tpu.enqueue_dma source(%arg6 : memref<1280x32xf32, #tpu.memory_space<vmem>>) target(%dma_start3A_221 : memref<1280x32xf32, #tpu.memory_space<hbm>>) target_semaphore(%arg10 : memref<!tpu.dma_semaphore, #tpu.memory_space<semaphore_mem>>)
    %dma_wait3A_222 = arith.constant 0 : i32
    %dma_wait3A_223 = tpu.memref_slice %arg4[%add3A_217, %dma_wait3A_222] : memref<819200x32xf32, #tpu.memory_space<hbm>> -> memref<1280x32xf32, #tpu.memory_space<hbm>>
    %dma_wait3A_224 = arith.constant 0 : i32
    %dma_wait3A_225 = tpu.memref_slice %arg4[%add3A_217, %dma_wait3A_224] : memref<819200x32xf32, #tpu.memory_space<hbm>> -> memref<1280x32xf32, #tpu.memory_space<hbm>>
    tpu.wait_dma2 semaphore(%arg10 : memref<!tpu.dma_semaphore, #tpu.memory_space<semaphore_mem>>) src(%arg6 : memref<1280x32xf32, #tpu.memory_space<vmem>>) dst(%dma_wait3A_225 : memref<1280x32xf32, #tpu.memory_space<hbm>>)
    %dma_start3A_226 = arith.constant 15360 : i32
    %dma_start3A_227 = tpu.memref_slice %arg5[%dma_start3A_226] : memref<25600xi32, #tpu.memory_space<vmem>> -> memref<1280xi32, #tpu.memory_space<vmem>>
    %dma_start3A_228 = arith.constant 0 : i32
    %dma_start3A_229 = arith.constant 0 : i32
    %dma_start3A_230 = tpu.memref_slice %arg3[%dma_start3A_228, %dma_start3A_229] : memref<4000000x32xf32, #tpu.memory_space<hbm>> -> memref<4000000x32xf32, #tpu.memory_space<hbm>>
    tpu.enqueue_indirect_dma source(%dma_start3A_230 : memref<4000000x32xf32, #tpu.memory_space<hbm>>) target(%arg6 : memref<1280x32xf32, #tpu.memory_space<vmem>>) offsets(%dma_start3A_227 : memref<1280xi32, #tpu.memory_space<vmem>>) semaphore(%arg8 : memref<!tpu.dma_semaphore, #tpu.memory_space<semaphore_mem>>)
    %dma_wait3A_231 = arith.constant 14080 : i32
    %dma_wait3A_232 = tpu.memref_slice %arg5[%dma_wait3A_231] : memref<25600xi32, #tpu.memory_space<vmem>> -> memref<1280xi32, #tpu.memory_space<vmem>>
    %dma_wait3A_233 = arith.constant 0 : i32
    %dma_wait3A_234 = arith.constant 0 : i32
    %dma_wait3A_235 = tpu.memref_slice %arg3[%dma_wait3A_233, %dma_wait3A_234] : memref<4000000x32xf32, #tpu.memory_space<hbm>> -> memref<4000000x32xf32, #tpu.memory_space<hbm>>
    tpu.wait_indirect_dma semaphore(%arg9 : memref<!tpu.dma_semaphore, #tpu.memory_space<semaphore_mem>>) src(%dma_wait3A_235 : memref<4000000x32xf32, #tpu.memory_space<hbm>>) dst(%arg7 : memref<1280x32xf32, #tpu.memory_space<vmem>>)
    %add3A_236 = arith.constant 14080 : i32
    %add3A_237 = arith.addi %mul3A_2, %add3A_236 : i32
    %dma_start3A_238 = arith.constant 0 : i32
    %dma_start3A_239 = tpu.memref_slice %arg4[%add3A_237, %dma_start3A_238] : memref<819200x32xf32, #tpu.memory_space<hbm>> -> memref<1280x32xf32, #tpu.memory_space<hbm>>
    %dma_start3A_240 = arith.constant 0 : i32
    %dma_start3A_241 = tpu.memref_slice %arg4[%add3A_237, %dma_start3A_240] : memref<819200x32xf32, #tpu.memory_space<hbm>> -> memref<1280x32xf32, #tpu.memory_space<hbm>>
    tpu.enqueue_dma source(%arg7 : memref<1280x32xf32, #tpu.memory_space<vmem>>) target(%dma_start3A_241 : memref<1280x32xf32, #tpu.memory_space<hbm>>) target_semaphore(%arg11 : memref<!tpu.dma_semaphore, #tpu.memory_space<semaphore_mem>>)
    %dma_wait3A_242 = arith.constant 0 : i32
    %dma_wait3A_243 = tpu.memref_slice %arg4[%add3A_237, %dma_wait3A_242] : memref<819200x32xf32, #tpu.memory_space<hbm>> -> memref<1280x32xf32, #tpu.memory_space<hbm>>
    %dma_wait3A_244 = arith.constant 0 : i32
    %dma_wait3A_245 = tpu.memref_slice %arg4[%add3A_237, %dma_wait3A_244] : memref<819200x32xf32, #tpu.memory_space<hbm>> -> memref<1280x32xf32, #tpu.memory_space<hbm>>
    tpu.wait_dma2 semaphore(%arg11 : memref<!tpu.dma_semaphore, #tpu.memory_space<semaphore_mem>>) src(%arg7 : memref<1280x32xf32, #tpu.memory_space<vmem>>) dst(%dma_wait3A_245 : memref<1280x32xf32, #tpu.memory_space<hbm>>)
    %dma_start3A_246 = arith.constant 16640 : i32
    %dma_start3A_247 = tpu.memref_slice %arg5[%dma_start3A_246] : memref<25600xi32, #tpu.memory_space<vmem>> -> memref<1280xi32, #tpu.memory_space<vmem>>
    %dma_start3A_248 = arith.constant 0 : i32
    %dma_start3A_249 = arith.constant 0 : i32
    %dma_start3A_250 = tpu.memref_slice %arg3[%dma_start3A_248, %dma_start3A_249] : memref<4000000x32xf32, #tpu.memory_space<hbm>> -> memref<4000000x32xf32, #tpu.memory_space<hbm>>
    tpu.enqueue_indirect_dma source(%dma_start3A_250 : memref<4000000x32xf32, #tpu.memory_space<hbm>>) target(%arg7 : memref<1280x32xf32, #tpu.memory_space<vmem>>) offsets(%dma_start3A_247 : memref<1280xi32, #tpu.memory_space<vmem>>) semaphore(%arg9 : memref<!tpu.dma_semaphore, #tpu.memory_space<semaphore_mem>>)
    %dma_wait3A_251 = arith.constant 15360 : i32
    %dma_wait3A_252 = tpu.memref_slice %arg5[%dma_wait3A_251] : memref<25600xi32, #tpu.memory_space<vmem>> -> memref<1280xi32, #tpu.memory_space<vmem>>
    %dma_wait3A_253 = arith.constant 0 : i32
    %dma_wait3A_254 = arith.constant 0 : i32
    %dma_wait3A_255 = tpu.memref_slice %arg3[%dma_wait3A_253, %dma_wait3A_254] : memref<4000000x32xf32, #tpu.memory_space<hbm>> -> memref<4000000x32xf32, #tpu.memory_space<hbm>>
    tpu.wait_indirect_dma semaphore(%arg8 : memref<!tpu.dma_semaphore, #tpu.memory_space<semaphore_mem>>) src(%dma_wait3A_255 : memref<4000000x32xf32, #tpu.memory_space<hbm>>) dst(%arg6 : memref<1280x32xf32, #tpu.memory_space<vmem>>)
    %add3A_256 = arith.constant 15360 : i32
    %add3A_257 = arith.addi %mul3A_2, %add3A_256 : i32
    %dma_start3A_258 = arith.constant 0 : i32
    %dma_start3A_259 = tpu.memref_slice %arg4[%add3A_257, %dma_start3A_258] : memref<819200x32xf32, #tpu.memory_space<hbm>> -> memref<1280x32xf32, #tpu.memory_space<hbm>>
    %dma_start3A_260 = arith.constant 0 : i32
    %dma_start3A_261 = tpu.memref_slice %arg4[%add3A_257, %dma_start3A_260] : memref<819200x32xf32, #tpu.memory_space<hbm>> -> memref<1280x32xf32, #tpu.memory_space<hbm>>
    tpu.enqueue_dma source(%arg6 : memref<1280x32xf32, #tpu.memory_space<vmem>>) target(%dma_start3A_261 : memref<1280x32xf32, #tpu.memory_space<hbm>>) target_semaphore(%arg10 : memref<!tpu.dma_semaphore, #tpu.memory_space<semaphore_mem>>)
    %dma_wait3A_262 = arith.constant 0 : i32
    %dma_wait3A_263 = tpu.memref_slice %arg4[%add3A_257, %dma_wait3A_262] : memref<819200x32xf32, #tpu.memory_space<hbm>> -> memref<1280x32xf32, #tpu.memory_space<hbm>>
    %dma_wait3A_264 = arith.constant 0 : i32
    %dma_wait3A_265 = tpu.memref_slice %arg4[%add3A_257, %dma_wait3A_264] : memref<819200x32xf32, #tpu.memory_space<hbm>> -> memref<1280x32xf32, #tpu.memory_space<hbm>>
    tpu.wait_dma2 semaphore(%arg10 : memref<!tpu.dma_semaphore, #tpu.memory_space<semaphore_mem>>) src(%arg6 : memref<1280x32xf32, #tpu.memory_space<vmem>>) dst(%dma_wait3A_265 : memref<1280x32xf32, #tpu.memory_space<hbm>>)
    %dma_start3A_266 = arith.constant 17920 : i32
    %dma_start3A_267 = tpu.memref_slice %arg5[%dma_start3A_266] : memref<25600xi32, #tpu.memory_space<vmem>> -> memref<1280xi32, #tpu.memory_space<vmem>>
    %dma_start3A_268 = arith.constant 0 : i32
    %dma_start3A_269 = arith.constant 0 : i32
    %dma_start3A_270 = tpu.memref_slice %arg3[%dma_start3A_268, %dma_start3A_269] : memref<4000000x32xf32, #tpu.memory_space<hbm>> -> memref<4000000x32xf32, #tpu.memory_space<hbm>>
    tpu.enqueue_indirect_dma source(%dma_start3A_270 : memref<4000000x32xf32, #tpu.memory_space<hbm>>) target(%arg6 : memref<1280x32xf32, #tpu.memory_space<vmem>>) offsets(%dma_start3A_267 : memref<1280xi32, #tpu.memory_space<vmem>>) semaphore(%arg8 : memref<!tpu.dma_semaphore, #tpu.memory_space<semaphore_mem>>)
    %dma_wait3A_271 = arith.constant 16640 : i32
    %dma_wait3A_272 = tpu.memref_slice %arg5[%dma_wait3A_271] : memref<25600xi32, #tpu.memory_space<vmem>> -> memref<1280xi32, #tpu.memory_space<vmem>>
    %dma_wait3A_273 = arith.constant 0 : i32
    %dma_wait3A_274 = arith.constant 0 : i32
    %dma_wait3A_275 = tpu.memref_slice %arg3[%dma_wait3A_273, %dma_wait3A_274] : memref<4000000x32xf32, #tpu.memory_space<hbm>> -> memref<4000000x32xf32, #tpu.memory_space<hbm>>
    tpu.wait_indirect_dma semaphore(%arg9 : memref<!tpu.dma_semaphore, #tpu.memory_space<semaphore_mem>>) src(%dma_wait3A_275 : memref<4000000x32xf32, #tpu.memory_space<hbm>>) dst(%arg7 : memref<1280x32xf32, #tpu.memory_space<vmem>>)
    %add3A_276 = arith.constant 16640 : i32
    %add3A_277 = arith.addi %mul3A_2, %add3A_276 : i32
    %dma_start3A_278 = arith.constant 0 : i32
    %dma_start3A_279 = tpu.memref_slice %arg4[%add3A_277, %dma_start3A_278] : memref<819200x32xf32, #tpu.memory_space<hbm>> -> memref<1280x32xf32, #tpu.memory_space<hbm>>
    %dma_start3A_280 = arith.constant 0 : i32
    %dma_start3A_281 = tpu.memref_slice %arg4[%add3A_277, %dma_start3A_280] : memref<819200x32xf32, #tpu.memory_space<hbm>> -> memref<1280x32xf32, #tpu.memory_space<hbm>>
    tpu.enqueue_dma source(%arg7 : memref<1280x32xf32, #tpu.memory_space<vmem>>) target(%dma_start3A_281 : memref<1280x32xf32, #tpu.memory_space<hbm>>) target_semaphore(%arg11 : memref<!tpu.dma_semaphore, #tpu.memory_space<semaphore_mem>>)
    %dma_wait3A_282 = arith.constant 0 : i32
    %dma_wait3A_283 = tpu.memref_slice %arg4[%add3A_277, %dma_wait3A_282] : memref<819200x32xf32, #tpu.memory_space<hbm>> -> memref<1280x32xf32, #tpu.memory_space<hbm>>
    %dma_wait3A_284 = arith.constant 0 : i32
    %dma_wait3A_285 = tpu.memref_slice %arg4[%add3A_277, %dma_wait3A_284] : memref<819200x32xf32, #tpu.memory_space<hbm>> -> memref<1280x32xf32, #tpu.memory_space<hbm>>
    tpu.wait_dma2 semaphore(%arg11 : memref<!tpu.dma_semaphore, #tpu.memory_space<semaphore_mem>>) src(%arg7 : memref<1280x32xf32, #tpu.memory_space<vmem>>) dst(%dma_wait3A_285 : memref<1280x32xf32, #tpu.memory_space<hbm>>)
    %dma_start3A_286 = arith.constant 19200 : i32
    %dma_start3A_287 = tpu.memref_slice %arg5[%dma_start3A_286] : memref<25600xi32, #tpu.memory_space<vmem>> -> memref<1280xi32, #tpu.memory_space<vmem>>
    %dma_start3A_288 = arith.constant 0 : i32
    %dma_start3A_289 = arith.constant 0 : i32
    %dma_start3A_290 = tpu.memref_slice %arg3[%dma_start3A_288, %dma_start3A_289] : memref<4000000x32xf32, #tpu.memory_space<hbm>> -> memref<4000000x32xf32, #tpu.memory_space<hbm>>
    tpu.enqueue_indirect_dma source(%dma_start3A_290 : memref<4000000x32xf32, #tpu.memory_space<hbm>>) target(%arg7 : memref<1280x32xf32, #tpu.memory_space<vmem>>) offsets(%dma_start3A_287 : memref<1280xi32, #tpu.memory_space<vmem>>) semaphore(%arg9 : memref<!tpu.dma_semaphore, #tpu.memory_space<semaphore_mem>>)
    %dma_wait3A_291 = arith.constant 17920 : i32
    %dma_wait3A_292 = tpu.memref_slice %arg5[%dma_wait3A_291] : memref<25600xi32, #tpu.memory_space<vmem>> -> memref<1280xi32, #tpu.memory_space<vmem>>
    %dma_wait3A_293 = arith.constant 0 : i32
    %dma_wait3A_294 = arith.constant 0 : i32
    %dma_wait3A_295 = tpu.memref_slice %arg3[%dma_wait3A_293, %dma_wait3A_294] : memref<4000000x32xf32, #tpu.memory_space<hbm>> -> memref<4000000x32xf32, #tpu.memory_space<hbm>>
    tpu.wait_indirect_dma semaphore(%arg8 : memref<!tpu.dma_semaphore, #tpu.memory_space<semaphore_mem>>) src(%dma_wait3A_295 : memref<4000000x32xf32, #tpu.memory_space<hbm>>) dst(%arg6 : memref<1280x32xf32, #tpu.memory_space<vmem>>)
    %add3A_296 = arith.constant 17920 : i32
    %add3A_297 = arith.addi %mul3A_2, %add3A_296 : i32
    %dma_start3A_298 = arith.constant 0 : i32
    %dma_start3A_299 = tpu.memref_slice %arg4[%add3A_297, %dma_start3A_298] : memref<819200x32xf32, #tpu.memory_space<hbm>> -> memref<1280x32xf32, #tpu.memory_space<hbm>>
    %dma_start3A_300 = arith.constant 0 : i32
    %dma_start3A_301 = tpu.memref_slice %arg4[%add3A_297, %dma_start3A_300] : memref<819200x32xf32, #tpu.memory_space<hbm>> -> memref<1280x32xf32, #tpu.memory_space<hbm>>
    tpu.enqueue_dma source(%arg6 : memref<1280x32xf32, #tpu.memory_space<vmem>>) target(%dma_start3A_301 : memref<1280x32xf32, #tpu.memory_space<hbm>>) target_semaphore(%arg10 : memref<!tpu.dma_semaphore, #tpu.memory_space<semaphore_mem>>)
    %dma_wait3A_302 = arith.constant 0 : i32
    %dma_wait3A_303 = tpu.memref_slice %arg4[%add3A_297, %dma_wait3A_302] : memref<819200x32xf32, #tpu.memory_space<hbm>> -> memref<1280x32xf32, #tpu.memory_space<hbm>>
    %dma_wait3A_304 = arith.constant 0 : i32
    %dma_wait3A_305 = tpu.memref_slice %arg4[%add3A_297, %dma_wait3A_304] : memref<819200x32xf32, #tpu.memory_space<hbm>> -> memref<1280x32xf32, #tpu.memory_space<hbm>>
    tpu.wait_dma2 semaphore(%arg10 : memref<!tpu.dma_semaphore, #tpu.memory_space<semaphore_mem>>) src(%arg6 : memref<1280x32xf32, #tpu.memory_space<vmem>>) dst(%dma_wait3A_305 : memref<1280x32xf32, #tpu.memory_space<hbm>>)
    %dma_start3A_306 = arith.constant 20480 : i32
    %dma_start3A_307 = tpu.memref_slice %arg5[%dma_start3A_306] : memref<25600xi32, #tpu.memory_space<vmem>> -> memref<1280xi32, #tpu.memory_space<vmem>>
    %dma_start3A_308 = arith.constant 0 : i32
    %dma_start3A_309 = arith.constant 0 : i32
    %dma_start3A_310 = tpu.memref_slice %arg3[%dma_start3A_308, %dma_start3A_309] : memref<4000000x32xf32, #tpu.memory_space<hbm>> -> memref<4000000x32xf32, #tpu.memory_space<hbm>>
    tpu.enqueue_indirect_dma source(%dma_start3A_310 : memref<4000000x32xf32, #tpu.memory_space<hbm>>) target(%arg6 : memref<1280x32xf32, #tpu.memory_space<vmem>>) offsets(%dma_start3A_307 : memref<1280xi32, #tpu.memory_space<vmem>>) semaphore(%arg8 : memref<!tpu.dma_semaphore, #tpu.memory_space<semaphore_mem>>)
    %dma_wait3A_311 = arith.constant 19200 : i32
    %dma_wait3A_312 = tpu.memref_slice %arg5[%dma_wait3A_311] : memref<25600xi32, #tpu.memory_space<vmem>> -> memref<1280xi32, #tpu.memory_space<vmem>>
    %dma_wait3A_313 = arith.constant 0 : i32
    %dma_wait3A_314 = arith.constant 0 : i32
    %dma_wait3A_315 = tpu.memref_slice %arg3[%dma_wait3A_313, %dma_wait3A_314] : memref<4000000x32xf32, #tpu.memory_space<hbm>> -> memref<4000000x32xf32, #tpu.memory_space<hbm>>
    tpu.wait_indirect_dma semaphore(%arg9 : memref<!tpu.dma_semaphore, #tpu.memory_space<semaphore_mem>>) src(%dma_wait3A_315 : memref<4000000x32xf32, #tpu.memory_space<hbm>>) dst(%arg7 : memref<1280x32xf32, #tpu.memory_space<vmem>>)
    %add3A_316 = arith.constant 19200 : i32
    %add3A_317 = arith.addi %mul3A_2, %add3A_316 : i32
    %dma_start3A_318 = arith.constant 0 : i32
    %dma_start3A_319 = tpu.memref_slice %arg4[%add3A_317, %dma_start3A_318] : memref<819200x32xf32, #tpu.memory_space<hbm>> -> memref<1280x32xf32, #tpu.memory_space<hbm>>
    %dma_start3A_320 = arith.constant 0 : i32
    %dma_start3A_321 = tpu.memref_slice %arg4[%add3A_317, %dma_start3A_320] : memref<819200x32xf32, #tpu.memory_space<hbm>> -> memref<1280x32xf32, #tpu.memory_space<hbm>>
    tpu.enqueue_dma source(%arg7 : memref<1280x32xf32, #tpu.memory_space<vmem>>) target(%dma_start3A_321 : memref<1280x32xf32, #tpu.memory_space<hbm>>) target_semaphore(%arg11 : memref<!tpu.dma_semaphore, #tpu.memory_space<semaphore_mem>>)
    %dma_wait3A_322 = arith.constant 0 : i32
    %dma_wait3A_323 = tpu.memref_slice %arg4[%add3A_317, %dma_wait3A_322] : memref<819200x32xf32, #tpu.memory_space<hbm>> -> memref<1280x32xf32, #tpu.memory_space<hbm>>
    %dma_wait3A_324 = arith.constant 0 : i32
    %dma_wait3A_325 = tpu.memref_slice %arg4[%add3A_317, %dma_wait3A_324] : memref<819200x32xf32, #tpu.memory_space<hbm>> -> memref<1280x32xf32, #tpu.memory_space<hbm>>
    tpu.wait_dma2 semaphore(%arg11 : memref<!tpu.dma_semaphore, #tpu.memory_space<semaphore_mem>>) src(%arg7 : memref<1280x32xf32, #tpu.memory_space<vmem>>) dst(%dma_wait3A_325 : memref<1280x32xf32, #tpu.memory_space<hbm>>)
    %dma_start3A_326 = arith.constant 21760 : i32
    %dma_start3A_327 = tpu.memref_slice %arg5[%dma_start3A_326] : memref<25600xi32, #tpu.memory_space<vmem>> -> memref<1280xi32, #tpu.memory_space<vmem>>
    %dma_start3A_328 = arith.constant 0 : i32
    %dma_start3A_329 = arith.constant 0 : i32
    %dma_start3A_330 = tpu.memref_slice %arg3[%dma_start3A_328, %dma_start3A_329] : memref<4000000x32xf32, #tpu.memory_space<hbm>> -> memref<4000000x32xf32, #tpu.memory_space<hbm>>
    tpu.enqueue_indirect_dma source(%dma_start3A_330 : memref<4000000x32xf32, #tpu.memory_space<hbm>>) target(%arg7 : memref<1280x32xf32, #tpu.memory_space<vmem>>) offsets(%dma_start3A_327 : memref<1280xi32, #tpu.memory_space<vmem>>) semaphore(%arg9 : memref<!tpu.dma_semaphore, #tpu.memory_space<semaphore_mem>>)
    %dma_wait3A_331 = arith.constant 20480 : i32
    %dma_wait3A_332 = tpu.memref_slice %arg5[%dma_wait3A_331] : memref<25600xi32, #tpu.memory_space<vmem>> -> memref<1280xi32, #tpu.memory_space<vmem>>
    %dma_wait3A_333 = arith.constant 0 : i32
    %dma_wait3A_334 = arith.constant 0 : i32
    %dma_wait3A_335 = tpu.memref_slice %arg3[%dma_wait3A_333, %dma_wait3A_334] : memref<4000000x32xf32, #tpu.memory_space<hbm>> -> memref<4000000x32xf32, #tpu.memory_space<hbm>>
    tpu.wait_indirect_dma semaphore(%arg8 : memref<!tpu.dma_semaphore, #tpu.memory_space<semaphore_mem>>) src(%dma_wait3A_335 : memref<4000000x32xf32, #tpu.memory_space<hbm>>) dst(%arg6 : memref<1280x32xf32, #tpu.memory_space<vmem>>)
    %add3A_336 = arith.constant 20480 : i32
    %add3A_337 = arith.addi %mul3A_2, %add3A_336 : i32
    %dma_start3A_338 = arith.constant 0 : i32
    %dma_start3A_339 = tpu.memref_slice %arg4[%add3A_337, %dma_start3A_338] : memref<819200x32xf32, #tpu.memory_space<hbm>> -> memref<1280x32xf32, #tpu.memory_space<hbm>>
    %dma_start3A_340 = arith.constant 0 : i32
    %dma_start3A_341 = tpu.memref_slice %arg4[%add3A_337, %dma_start3A_340] : memref<819200x32xf32, #tpu.memory_space<hbm>> -> memref<1280x32xf32, #tpu.memory_space<hbm>>
    tpu.enqueue_dma source(%arg6 : memref<1280x32xf32, #tpu.memory_space<vmem>>) target(%dma_start3A_341 : memref<1280x32xf32, #tpu.memory_space<hbm>>) target_semaphore(%arg10 : memref<!tpu.dma_semaphore, #tpu.memory_space<semaphore_mem>>)
    %dma_wait3A_342 = arith.constant 0 : i32
    %dma_wait3A_343 = tpu.memref_slice %arg4[%add3A_337, %dma_wait3A_342] : memref<819200x32xf32, #tpu.memory_space<hbm>> -> memref<1280x32xf32, #tpu.memory_space<hbm>>
    %dma_wait3A_344 = arith.constant 0 : i32
    %dma_wait3A_345 = tpu.memref_slice %arg4[%add3A_337, %dma_wait3A_344] : memref<819200x32xf32, #tpu.memory_space<hbm>> -> memref<1280x32xf32, #tpu.memory_space<hbm>>
    tpu.wait_dma2 semaphore(%arg10 : memref<!tpu.dma_semaphore, #tpu.memory_space<semaphore_mem>>) src(%arg6 : memref<1280x32xf32, #tpu.memory_space<vmem>>) dst(%dma_wait3A_345 : memref<1280x32xf32, #tpu.memory_space<hbm>>)
    %dma_start3A_346 = arith.constant 23040 : i32
    %dma_start3A_347 = tpu.memref_slice %arg5[%dma_start3A_346] : memref<25600xi32, #tpu.memory_space<vmem>> -> memref<1280xi32, #tpu.memory_space<vmem>>
    %dma_start3A_348 = arith.constant 0 : i32
    %dma_start3A_349 = arith.constant 0 : i32
    %dma_start3A_350 = tpu.memref_slice %arg3[%dma_start3A_348, %dma_start3A_349] : memref<4000000x32xf32, #tpu.memory_space<hbm>> -> memref<4000000x32xf32, #tpu.memory_space<hbm>>
    tpu.enqueue_indirect_dma source(%dma_start3A_350 : memref<4000000x32xf32, #tpu.memory_space<hbm>>) target(%arg6 : memref<1280x32xf32, #tpu.memory_space<vmem>>) offsets(%dma_start3A_347 : memref<1280xi32, #tpu.memory_space<vmem>>) semaphore(%arg8 : memref<!tpu.dma_semaphore, #tpu.memory_space<semaphore_mem>>)
    %dma_wait3A_351 = arith.constant 21760 : i32
    %dma_wait3A_352 = tpu.memref_slice %arg5[%dma_wait3A_351] : memref<25600xi32, #tpu.memory_space<vmem>> -> memref<1280xi32, #tpu.memory_space<vmem>>
    %dma_wait3A_353 = arith.constant 0 : i32
    %dma_wait3A_354 = arith.constant 0 : i32
    %dma_wait3A_355 = tpu.memref_slice %arg3[%dma_wait3A_353, %dma_wait3A_354] : memref<4000000x32xf32, #tpu.memory_space<hbm>> -> memref<4000000x32xf32, #tpu.memory_space<hbm>>
    tpu.wait_indirect_dma semaphore(%arg9 : memref<!tpu.dma_semaphore, #tpu.memory_space<semaphore_mem>>) src(%dma_wait3A_355 : memref<4000000x32xf32, #tpu.memory_space<hbm>>) dst(%arg7 : memref<1280x32xf32, #tpu.memory_space<vmem>>)
    %add3A_356 = arith.constant 21760 : i32
    %add3A_357 = arith.addi %mul3A_2, %add3A_356 : i32
    %dma_start3A_358 = arith.constant 0 : i32
    %dma_start3A_359 = tpu.memref_slice %arg4[%add3A_357, %dma_start3A_358] : memref<819200x32xf32, #tpu.memory_space<hbm>> -> memref<1280x32xf32, #tpu.memory_space<hbm>>
    %dma_start3A_360 = arith.constant 0 : i32
    %dma_start3A_361 = tpu.memref_slice %arg4[%add3A_357, %dma_start3A_360] : memref<819200x32xf32, #tpu.memory_space<hbm>> -> memref<1280x32xf32, #tpu.memory_space<hbm>>
    tpu.enqueue_dma source(%arg7 : memref<1280x32xf32, #tpu.memory_space<vmem>>) target(%dma_start3A_361 : memref<1280x32xf32, #tpu.memory_space<hbm>>) target_semaphore(%arg11 : memref<!tpu.dma_semaphore, #tpu.memory_space<semaphore_mem>>)
    %dma_wait3A_362 = arith.constant 0 : i32
    %dma_wait3A_363 = tpu.memref_slice %arg4[%add3A_357, %dma_wait3A_362] : memref<819200x32xf32, #tpu.memory_space<hbm>> -> memref<1280x32xf32, #tpu.memory_space<hbm>>
    %dma_wait3A_364 = arith.constant 0 : i32
    %dma_wait3A_365 = tpu.memref_slice %arg4[%add3A_357, %dma_wait3A_364] : memref<819200x32xf32, #tpu.memory_space<hbm>> -> memref<1280x32xf32, #tpu.memory_space<hbm>>
    tpu.wait_dma2 semaphore(%arg11 : memref<!tpu.dma_semaphore, #tpu.memory_space<semaphore_mem>>) src(%arg7 : memref<1280x32xf32, #tpu.memory_space<vmem>>) dst(%dma_wait3A_365 : memref<1280x32xf32, #tpu.memory_space<hbm>>)
    %dma_start3A_366 = arith.constant 24320 : i32
    %dma_start3A_367 = tpu.memref_slice %arg5[%dma_start3A_366] : memref<25600xi32, #tpu.memory_space<vmem>> -> memref<1280xi32, #tpu.memory_space<vmem>>
    %dma_start3A_368 = arith.constant 0 : i32
    %dma_start3A_369 = arith.constant 0 : i32
    %dma_start3A_370 = tpu.memref_slice %arg3[%dma_start3A_368, %dma_start3A_369] : memref<4000000x32xf32, #tpu.memory_space<hbm>> -> memref<4000000x32xf32, #tpu.memory_space<hbm>>
    tpu.enqueue_indirect_dma source(%dma_start3A_370 : memref<4000000x32xf32, #tpu.memory_space<hbm>>) target(%arg7 : memref<1280x32xf32, #tpu.memory_space<vmem>>) offsets(%dma_start3A_367 : memref<1280xi32, #tpu.memory_space<vmem>>) semaphore(%arg9 : memref<!tpu.dma_semaphore, #tpu.memory_space<semaphore_mem>>)
    %dma_wait3A_371 = arith.constant 23040 : i32
    %dma_wait3A_372 = tpu.memref_slice %arg5[%dma_wait3A_371] : memref<25600xi32, #tpu.memory_space<vmem>> -> memref<1280xi32, #tpu.memory_space<vmem>>
    %dma_wait3A_373 = arith.constant 0 : i32
    %dma_wait3A_374 = arith.constant 0 : i32
    %dma_wait3A_375 = tpu.memref_slice %arg3[%dma_wait3A_373, %dma_wait3A_374] : memref<4000000x32xf32, #tpu.memory_space<hbm>> -> memref<4000000x32xf32, #tpu.memory_space<hbm>>
    tpu.wait_indirect_dma semaphore(%arg8 : memref<!tpu.dma_semaphore, #tpu.memory_space<semaphore_mem>>) src(%dma_wait3A_375 : memref<4000000x32xf32, #tpu.memory_space<hbm>>) dst(%arg6 : memref<1280x32xf32, #tpu.memory_space<vmem>>)
    %add3A_376 = arith.constant 23040 : i32
    %add3A_377 = arith.addi %mul3A_2, %add3A_376 : i32
    %dma_start3A_378 = arith.constant 0 : i32
    %dma_start3A_379 = tpu.memref_slice %arg4[%add3A_377, %dma_start3A_378] : memref<819200x32xf32, #tpu.memory_space<hbm>> -> memref<1280x32xf32, #tpu.memory_space<hbm>>
    %dma_start3A_380 = arith.constant 0 : i32
    %dma_start3A_381 = tpu.memref_slice %arg4[%add3A_377, %dma_start3A_380] : memref<819200x32xf32, #tpu.memory_space<hbm>> -> memref<1280x32xf32, #tpu.memory_space<hbm>>
    tpu.enqueue_dma source(%arg6 : memref<1280x32xf32, #tpu.memory_space<vmem>>) target(%dma_start3A_381 : memref<1280x32xf32, #tpu.memory_space<hbm>>) target_semaphore(%arg10 : memref<!tpu.dma_semaphore, #tpu.memory_space<semaphore_mem>>)
    %dma_wait3A_382 = arith.constant 24320 : i32
    %dma_wait3A_383 = tpu.memref_slice %arg5[%dma_wait3A_382] : memref<25600xi32, #tpu.memory_space<vmem>> -> memref<1280xi32, #tpu.memory_space<vmem>>
    %dma_wait3A_384 = arith.constant 0 : i32
    %dma_wait3A_385 = arith.constant 0 : i32
    %dma_wait3A_386 = tpu.memref_slice %arg3[%dma_wait3A_384, %dma_wait3A_385] : memref<4000000x32xf32, #tpu.memory_space<hbm>> -> memref<4000000x32xf32, #tpu.memory_space<hbm>>
    tpu.wait_indirect_dma semaphore(%arg9 : memref<!tpu.dma_semaphore, #tpu.memory_space<semaphore_mem>>) src(%dma_wait3A_386 : memref<4000000x32xf32, #tpu.memory_space<hbm>>) dst(%arg7 : memref<1280x32xf32, #tpu.memory_space<vmem>>)
    %add3A_387 = arith.constant 24320 : i32
    %add3A_388 = arith.addi %mul3A_2, %add3A_387 : i32
    %dma_start3A_389 = arith.constant 0 : i32
    %dma_start3A_390 = tpu.memref_slice %arg4[%add3A_388, %dma_start3A_389] : memref<819200x32xf32, #tpu.memory_space<hbm>> -> memref<1280x32xf32, #tpu.memory_space<hbm>>
    %dma_start3A_391 = arith.constant 0 : i32
    %dma_start3A_392 = tpu.memref_slice %arg4[%add3A_388, %dma_start3A_391] : memref<819200x32xf32, #tpu.memory_space<hbm>> -> memref<1280x32xf32, #tpu.memory_space<hbm>>
    tpu.enqueue_dma source(%arg7 : memref<1280x32xf32, #tpu.memory_space<vmem>>) target(%dma_start3A_392 : memref<1280x32xf32, #tpu.memory_space<hbm>>) target_semaphore(%arg11 : memref<!tpu.dma_semaphore, #tpu.memory_space<semaphore_mem>>)
    %dma_wait3A_393 = arith.constant 0 : i32
    %dma_wait3A_394 = tpu.memref_slice %arg4[%add3A_377, %dma_wait3A_393] : memref<819200x32xf32, #tpu.memory_space<hbm>> -> memref<1280x32xf32, #tpu.memory_space<hbm>>
    %dma_wait3A_395 = arith.constant 0 : i32
    %dma_wait3A_396 = tpu.memref_slice %arg4[%add3A_377, %dma_wait3A_395] : memref<819200x32xf32, #tpu.memory_space<hbm>> -> memref<1280x32xf32, #tpu.memory_space<hbm>>
    tpu.wait_dma2 semaphore(%arg10 : memref<!tpu.dma_semaphore, #tpu.memory_space<semaphore_mem>>) src(%arg6 : memref<1280x32xf32, #tpu.memory_space<vmem>>) dst(%dma_wait3A_396 : memref<1280x32xf32, #tpu.memory_space<hbm>>)
    %dma_wait3A_397 = arith.constant 0 : i32
    %dma_wait3A_398 = tpu.memref_slice %arg4[%add3A_388, %dma_wait3A_397] : memref<819200x32xf32, #tpu.memory_space<hbm>> -> memref<1280x32xf32, #tpu.memory_space<hbm>>
    %dma_wait3A_399 = arith.constant 0 : i32
    %dma_wait3A_400 = tpu.memref_slice %arg4[%add3A_388, %dma_wait3A_399] : memref<819200x32xf32, #tpu.memory_space<hbm>> -> memref<1280x32xf32, #tpu.memory_space<hbm>>
    tpu.wait_dma2 semaphore(%arg11 : memref<!tpu.dma_semaphore, #tpu.memory_space<semaphore_mem>>) src(%arg7 : memref<1280x32xf32, #tpu.memory_space<vmem>>) dst(%dma_wait3A_400 : memref<1280x32xf32, #tpu.memory_space<hbm>>)
    return
  }
}

</mosaic_0001>

<sc_bundles>
// kernel: _emb_call.3.cloned.1.call-start
scs
__scs_entry_jumppad:
0x0: {  	(pc) =	sbr.rel $0x88, $3  }
0x1: {  	(tag) =	ssettag $0x0;
	lr =	simm.s32 $0x1  }
0x2: {  	[smem:$0x3F9F] =	sst lr;
	_ =	strace $0xD0000000  }
0x3: {  	_ = 	snop  }
0x4: {  	_ = 	snop  }
0x5: {  	_ = 	snop  }
0x6: {  	_ = 	snop  }
0x7: {  	_ = 	snop  }
__scs_overlays_trampoline_lowered:
0x8: {  	[smem:$0x3FAE] =	sst s0  }
0x9: {  	[smem:$0x3FAF] =	sst s1  }
0xa: {  	[smem:$0x3FB0] =	sst s2  }
0xb: {  	[smem:$0x3FB1] =	sst s3  }
0xc: {  	[smem:$0x3FB2] =	sst s4  }
0xd: {  	[smem:$0x3FB3] =	sst s5  }
0xe: {  	[smem:$0x3FB4] =	sst s6  }
0xf: {  	[smem:$0x3FB5] =	sst s7  }
0x10: {  	[smem:$0x3FB6] =	sst s8  }
0x11: {  	[smem:$0x3FB7] =	sst s9;
	s0 =	simm.s32 @!p0 $0x0  }
0x12: {  	s1 =	sld [smem:$0x3F9D];
	s0 =	simm.s32 @p0 $0x1  }
0x13: {  	[smem:$0x3FB8] =	sst s0;
	s0 =	simm.s32 @!p1 $0x0  }
0x14: {  	s2 =	sld [smem:$0x3F9C];
	s0 =	simm.s32 @p1 $0x1  }
0x15: {  	[smem:$0x3FB9] =	sst s0;
	s0 =	simm.s32 @!p2 $0x0  }
0x16: {  	s3 =	sld [smem:$0x3FDB];
	s0 =	simm.s32 @p2 $0x1  }
0x17: {  	s4 =	simm.s32 $0x1BF5;
	[smem:$0x3FBB] =	sst s0  }
0x18: {  	s0 =	sld [smem:$0x3F9E];
	_ =	swait.ge [sflag:s4], $0x0  }
0x19: {  	s7 =	sld [smem:$0x3F9F]  }
0x1a: {  	s8 =	sadd.s32 $0xFFFFE003, lr  }
0x1b: {  	s9 =	sadd.s32 $0xFFFFFEF7, lr;
	s5 =	simm.s32 $0xFFFFFFFF;
	p2 =	slt.u32 s8, $0xFFFFF086  }
0x1c: {  	p1 =	slt.u32 s9, $0xF7A;
	s5 =	simm.s32 @!p2 $0x0  }
0x1d: {  	s5 =	simm.s32 @p1 $0x1;
	p0 =	seq.s32 s7, s2  }
0x1e: {  	s7 =	smul.u32 @!p0 $0xF7A, s2;
	p2 =	seq.s32 @!p0 s5, $0x0  }
0x1f: {  	s9 =	smul.u32 $0xF7A, s1;
	s8 =	simm.s32 @!p0 $0x1BF5;
	p2 =	por !p2, p0  }
0x20: {  	[sflag:s8] =	ssyncset.s32 @!p0 $0xFFFFF086;
	s6 =	sadd.s32 @!p0 s3, s7;
	s7 =	simm.s32 @!p0 $0x108  }
0x21: {  	s3 =	sadd.s32 s3, s9;
	s6 =	sadd.s32 @!p0 $0x88, s6;
	s7 =	simm.s32 @p2 $0x1082  }
0x22: {  	[simem:s7], [sflag:s8] =	dma.local @!p0 [hbm:s6], $0xF7A  }
0x23: {  	s9 =	sor.u32 $0xD0000000, s2;
	s6 =	simm.s32 $0x108;
	_ =	swait.ge @!p0 [sflag:s8], $0x0  }
0x24: {  	s3 =	sadd.s32 $0x88, s3;
	s6 =	simm.s32 @!p1 $0x1082;
	[sflag:s4] =	ssyncset.s32 $0xFFFFF086  }
0x25: {  	[simem:s6], [sflag:s4] =	dma.local [hbm:s3], $0xF7A  }
0x26: {  	[smem:$0x3F9F] =	sst s1;
	(tag) =	ssettag s2;
	_ =	strace s9  }
0x27: {  	s1 =	sld [smem:$0x3FAF]  }
0x28: {  	s2 =	sld [smem:$0x3FB0]  }
0x29: {  	s4 =	sld [smem:$0x3FB2]  }
0x2a: {  	p0 =	seq.s32 s5, $0x0;
	s5 =	sld [smem:$0x3FB3]  }
0x2b: {  	s6 =	sld [smem:$0x3FB4]  }
0x2c: {  	s7 =	sld [smem:$0x3FB5]  }
0x2d: {  	s3 =	simm.s32 $0x108;
	s8 =	sld [smem:$0x3FB6]  }
0x2e: {  	s3 =	simm.s32 @!p0 $0x1082;
	s9 =	sld [smem:$0x3FB7]  }
0x2f: {  	lr =	sadd.s32 s0, s3;
	s0 =	sld [smem:$0x3FAE]  }
0x30: {  	s3 =	sld [smem:$0x3FB1]  }
0x31: {  	[smem:$0x3FBA] =	sst s10  }
0x32: {  	s10 =	sld [smem:$0x3FB8];
	_ =	sdelay $0x3  }
0x33: {  	p0 =	seq.s32 s10, $0x1;
	s10 =	sld [smem:$0x3FBA];
	_ =	sdelay $0x3  }
0x34: {  	[smem:$0x3FBA] =	sst s10  }
0x35: {  	s10 =	sld [smem:$0x3FB9];
	_ =	sdelay $0x3  }
0x36: {  	p1 =	seq.s32 s10, $0x1;
	s10 =	sld [smem:$0x3FBA];
	_ =	sdelay $0x3  }
0x37: {  	[smem:$0x3FBA] =	sst s10  }
0x38: {  	s10 =	sld [smem:$0x3FBB]  }
0x39: {  	_ = 	snop;
	(pc) =	sbr.ind lr, $3  }
0x3a: {  	_ = 	snop  }
0x3b: {  	_ = 	snop  }
0x3c: {  	p2 =	seq.s32 s10, $0x1;
	s10 =	sld [smem:$0x3FBA]  }
0x3d: {  	_ =	shalt  }
0x3e: {  	_ =	shalt  }
0x3f: {  	_ =	shalt  }
0x40: {  	_ =	shalt  }
0x41: {  	_ =	shalt  }
0x42: {  	_ =	shalt  }
0x43: {  	_ =	shalt  }
0x44: {  	_ =	shalt  }
0x45: {  	_ =	shalt  }
0x46: {  	_ =	shalt  }
0x47: {  	_ =	shalt  }
0x48: {  	_ =	shalt  }
0x49: {  	_ =	shalt  }
0x4a: {  	_ =	shalt  }
0x4b: {  	_ =	shalt  }
0x4c: {  	_ =	shalt  }
0x4d: {  	_ =	shalt  }
0x4e: {  	_ =	shalt  }
0x4f: {  	_ =	shalt  }
0x50: {  	_ =	shalt  }
0x51: {  	_ =	shalt  }
0x52: {  	_ =	shalt  }
0x53: {  	_ =	shalt  }
0x54: {  	_ =	shalt  }
0x55: {  	_ =	shalt  }
0x56: {  	_ =	shalt  }
0x57: {  	_ =	shalt  }
0x58: {  	_ =	shalt  }
0x59: {  	_ =	shalt  }
0x5a: {  	_ =	shalt  }
0x5b: {  	_ =	shalt  }
0x5c: {  	_ =	shalt  }
0x5d: {  	_ =	shalt  }
0x5e: {  	_ =	shalt  }
0x5f: {  	_ =	shalt  }
0x60: {  	_ =	shalt  }
0x61: {  	_ =	shalt  }
0x62: {  	_ =	shalt  }
0x63: {  	_ =	shalt  }
0x64: {  	_ =	shalt  }
0x65: {  	_ =	shalt  }
0x66: {  	_ =	shalt  }
0x67: {  	_ =	shalt  }
0x68: {  	_ =	shalt  }
0x69: {  	_ =	shalt  }
0x6a: {  	_ =	shalt  }
0x6b: {  	_ =	shalt  }
0x6c: {  	_ =	shalt  }
0x6d: {  	_ =	shalt  }
0x6e: {  	_ =	shalt  }
0x6f: {  	_ =	shalt  }
0x70: {  	_ =	shalt  }
0x71: {  	_ =	shalt  }
0x72: {  	_ =	shalt  }
0x73: {  	_ =	shalt  }
0x74: {  	_ =	shalt  }
0x75: {  	_ =	shalt  }
0x76: {  	_ =	shalt  }
0x77: {  	_ =	shalt  }
0x78: {  	_ =	shalt  }
0x79: {  	_ =	shalt  }
0x7a: {  	_ =	shalt  }
0x7b: {  	_ =	shalt  }
0x7c: {  	_ =	shalt  }
0x7d: {  	_ =	shalt  }
0x7e: {  	_ =	shalt  }
0x7f: {  	_ =	shalt  }
0x80: {  	_ =	shalt  }
0x81: {  	_ =	shalt  }
0x82: {  	_ =	shalt  }
0x83: {  	_ =	shalt  }
0x84: {  	_ =	shalt  }
0x85: {  	_ =	shalt  }
0x86: {  	_ =	shalt  }
0x87: {  	_ =	shalt  }
.Lfunc_end0:
.L_simem_size_0:
called_computation.1_lowered:
.L_overlay_start_0:
0x88: {  	s2 =	sld [smem:$0x3FD9]  }
0x89: {  	s3 =	sld [smem:$0x3FFE];
	_ =	sdelay $0x1  }
0x8a: {  	s1 =	srdreg.scid  }
0x8b: {  	s0 =	sand.u32 $0x1, s1  }
0x8c: {  	s17 =	sshll.u32 s0, $0xA;
	s2 =	sadd.s32 s3, s2  }
0x8d: {  	s2 =	sadd.s32 s2, s17  }
0x8e: {  	[smem:$0x3FC6] =	sst s2  }
0x8f: {  	_ = 	snop  }
0x90: {  	s2 =	sld [smem:$0x3FC9]  }
0x91: {  	s18 =	sld [smem:$0x3FD0];
	(tm) =	ssettm $0x1  }
0x92: {  	s4 =	sld [smem:$0x3FFB];
	_ =	sdelay $0x3  }
0x93: {  	_ =	strace s4  }
0x94: {  	s4 =	sld [smem:$0x3FFC];
	_ =	sdelay $0x3  }
0x95: {  	_ =	strace s4  }
0x96: {  	s4 =	sld [smem:$0x3FFD];
	_ =	sdelay $0x3  }
0x97: {  	_ =	strace s4  }
0x98: {  	_ =	strace $0x8FFFFFFF  }
0x99: {  	s19 =	sld [smem:$0x3FDB];
	_ =	sdelay $0x1  }
0x9a: {  	s5 =	simm.s32 $_scs_section_size  }
0x9b: {  	s6 =	simm.s32 $_size__tile_overlayer_lowered;
	s7 =	simm.s32 $_tile_overlayer_lowered  }
0x9c: {  	s22 =	simm.s32 $0x1BFF;
	s21 =	sshll.u32 s7, $0x1;
	s4 =	sadd.s32 s5, s19  }
0x9d: {  	s8 =	simm.s32 $0x0;
	s20 =	sshll.u32 s6, $0x1;
	s6 =	sadd.s32 s21, s4  }
0x9e: {  	[timem:s8], [sflag:s22] =	dma.local [hbm:s6], s20  }
0x9f: {  	_ =	swait.ge [sflag:s22], s20  }
0xa0: {  	s5 =	ssub.s32 $0x0, s20;
	[sflag:s22] =	ssyncset.done $0x0  }
0xa1: {  	[sflag:s22] =	ssyncadd.s32 s5;
	_ =	sdelay $0x1  }
0xa2: {  	s23 =	simm.s32 $0x1B8B  }
0xa3: {  	_ =	swait.ge [sflag:s23], $0x1  }
0xa4: {  	[sflag:s23] =	ssyncset.done $0x0  }
0xa5: {  	s25 =	simm.s32 $0x1B8E;
	s24 =	sld [smem:$0x3FFE];
	[sflag:s23] =	ssyncadd.s32 $0xFFFFFFFF  }
0xa6: {  	s26 =	simm.s32 $execute0_lowered;
	[smem:$0x3FD2] =	sst s25  }
0xa7: {  	s6 =	sshll.u32 s26, $0x1;
	_ =	strace $0x80000046;
	[dreg:$0x1] =	wrdreg $0xFFFFFFFF  }
0xa8: {  	s28 =	simm.s32 $_size_execute0_lowered;
	s4 =	sadd.s32 s4, s6;
	[dreg:$0x0] =	wrdreg $0x0  }
0xa9: {  	s6 =	sshll.u32 s28, $0x1;
	[dreg:$0x2] =	wrdreg s4  }
0xaa: {  	[dreg:$0x3] =	wrdreg s6  }
0xab: {  	[dreg:$0x4] =	wrdreg $0xC0  }
0xac: {  	_ =	task [dreg:s8], $0x5FFFF  }
0xad: {  	[dreg:$0x1] =	wrdreg $0xFFFFFFFF  }
0xae: {  	[dreg:$0x0] =	wrdreg $0x60  }
0xaf: {  	[dreg:$0x2] =	wrdreg s2  }
0xb0: {  	[dreg:$0x3] =	wrdreg s24  }
0xb1: {  	[dreg:$0x4] =	wrdreg s18  }
0xb2: {  	[dreg:$0x5] =	wrdreg $0x9  }
0xb3: {  	_ =	task.clear_ibuf [dreg:s8], $0x6FFFF;
	_ =	strace $0x90000046  }
0xb4: {  	s29 =	simm.s32 $0x9;
	_ =	strace $0x80000048  }
0xb5: {  	_ =	swait.ge [sflag:s29], $0x1  }
0xb6: {  	[sflag:s29] =	ssyncadd.s32 $0xFFFFFFFF  }
0xb7: {  	_ =	strace $0x90000048  }
0xb8: {  	_ =	sfence  }
0xb9: {  	s30 =	sld [smem:$0x0];
	_ =	sdelay $0x2  }
0xba: {  	s31 =	sshll.u32 s1, $0xD;
	s1 =	sshrl.u32 s1, $0x2  }
0xbb: {  	s3 =	sand.u32 $0x4000, s31;
	s1 =	sadd.s32 s1, s30  }
0xbc: {  	s0 =	sor.u32 s3, s0;
	s1 =	sshll.u32 s1, $0x11  }
0xbd: {  	s0 =	sor.u32 s1, s0  }
0xbe: {  	s0 =	sadd.s32 $0x8F2B, s0  }
0xbf: {  	[sflag:s0] =	ssyncadd.remote.s32 $0x1  }
0xc0: {  	_ =	sfence.sel $0xFFFF  }
0xc1: {  	[dreg:$0x0] =	wrdreg $0xFFFFFFFF;
	(pc) =	sbr.abs _section_cstart, $3  }
0xc2: {  	[dreg:$0x1] =	wrdreg $0xFFFFFFFF  }
0xc3: {  	_ =	task.clear_ibuf [dreg:s8], $0x2FFFF;
	_ =	strace $0x9FFFFFFF  }
0xc4: {  	(tm) =	ssettm $0x7FFFFFFF  }
0xc5: {  	_ =	shalt  }
tec
execute0_lowered:
.L_overlay_start_1:
0x0: {  	(tag) =	ssettag $0x1  }
0x1: {  	s0 =	srdreg.scid;
	s2 =	stileid.u32  }
0x2: {  	s1 =	rddreg [dreg:$0x0];
	s0 =	sand.u32 $0x1, s0;
	s2 =	sshll.u32 s2, $0x1  }
0x3: {  	s3 =	rddreg [dreg:$0x1];
	s4 =	sor.u32 s0, s2  }
0x4: {  	s5 =	rddreg [dreg:$0x2];
	s2 =	simm.s32 $0x0;
	s6 =	smul.u32 $0xC80, s4  }
0x5: {  	s0 =	ssub.s32 $0x2, s0;
	s7 =	smul.u32 $0xC8000, s4;
	[smem:$0x7FF] =	sst s2  }
0x6: {  	s4 =	smul.u32 $0x19000, s4;
	s24 =	sshrl.u32 s0, $0x1;
	_ =	strace $0x80000047  }
0x7: {  	s0 =	ssub.s32 s0, s24;
	s1 =	sadd.s32 s1, s6;
	s26 =	sshrl.u32 s7, $0x3  }
0x8: {  	s4 =	sadd.s32 s5, s4;
	s0 =	smax.u32 s0, $0x1;
	[dreg:$0x4] =	wrdreg s1  }
0x9: {  	s7 =	sadd.s32 s5, s26;
	[dreg:$0x5] =	wrdreg s4;
	p1 =	sne.s32 s0, $0x1  }
0xa: {  	s1 =	sadd.s32 $0xFFFFFFFF, s0;
	s8 =	sadd.s32 $0x1400, s7;
	s0 =	rddreg [dreg:$0x4]  }
0xb: {  	s9 =	sadd.s32 $0x2800, s7;
	[dreg:$0x6] =	wrdreg s8  }
0xc: {  	s10 =	sadd.s32 $0x3C00, s7;
	[dreg:$0x7] =	wrdreg s9  }
0xd: {  	s11 =	sadd.s32 $0x5000, s7;
	[dreg:$0x8] =	wrdreg s10  }
0xe: {  	s12 =	sadd.s32 $0x6400, s7;
	[dreg:$0x9] =	wrdreg s11  }
0xf: {  	s13 =	sadd.s32 $0x7800, s7;
	[dreg:$0xa] =	wrdreg s12  }
0x10: {  	s14 =	sadd.s32 $0x8C00, s7;
	[dreg:$0xb] =	wrdreg s13  }
0x11: {  	s15 =	sadd.s32 $0xA000, s7;
	[dreg:$0xc] =	wrdreg s14  }
0x12: {  	s31 =	simm.s32 $0x5;
	s16 =	sadd.s32 $0xB400, s7;
	[dreg:$0xd] =	wrdreg s15  }
0x13: {  	s30 =	simm.s32 $0xA00;
	s17 =	sadd.s32 $0xC800, s7;
	[dreg:$0xe] =	wrdreg s16  }
0x14: {  	s29 =	simm.s32 $0xF00;
	s18 =	sadd.s32 $0xDC00, s7;
	[dreg:$0xf] =	wrdreg s17  }
0x15: {  	s28 =	simm.s32 $0x1400;
	s19 =	sadd.s32 $0xF000, s7;
	[dreg:$0x10] =	wrdreg s18  }
0x16: {  	p0 =	por $0x0, $0x0;
	s20 =	sadd.s32 $0x10400, s7;
	[dreg:$0x11] =	wrdreg s19  }
0x17: {  	s3 =	sadd.s32 $0x3D09800, s3;
	s21 =	sadd.s32 $0x11800, s7;
	[dreg:$0x12] =	wrdreg s20  }
0x18: {  	s24 =	simm.s32 $0x2300;
	s22 =	sadd.s32 $0x12C00, s7;
	[dreg:$0x13] =	wrdreg s21  }
0x19: {  	s6 =	simm.s32 $0x4;
	s23 =	sadd.s32 $0x14000, s7;
	[dreg:$0x14] =	wrdreg s22  }
0x1a: {  	s5 =	simm.s32 $0x3;
	s25 =	sadd.s32 $0x15400, s7;
	[dreg:$0x15] =	wrdreg s23  }
0x1b: {  	s26 =	sadd.s32 $0x16800, s7;
	s4 =	sadd.s32 $0x17C00, s7;
	[dreg:$0x16] =	wrdreg s25  }
0x1c: {  	s7 =	simm.s32 $0x10400;
	[dreg:$0x17] =	wrdreg s26;
	s11 =	simm.s32 $0x500  }
0x1d: {  	s8 =	simm.s32 $0x6400;
	s10 =	simm.s32 $0x1;
	s9 =	simm.s32 $0x2  }
.Ltmp0:
0x1e: {  	s26 =	simm.s32 $0x1900;
	s25 =	simm.s32 $0x1E00;
	(pc) =	sbr.rel @!p1 .LBB2_3-.Ltmp0, $4  }
0x1f: {  	s23 =	simm.s32 $0x2800;
	s22 =	simm.s32 $0x2D00;
	s21 =	simm.s32 $0x3200  }
0x20: {  	s20 =	simm.s32 $0x3700;
	s19 =	simm.s32 $0x3C00;
	s18 =	simm.s32 $0x4100  }
0x21: {  	s17 =	simm.s32 $0x4600;
	s16 =	simm.s32 $0x4B00;
	s15 =	simm.s32 $0x5000  }
0x22: {  	s14 =	simm.s32 $0x5500;
	s13 =	simm.s32 $0x5A00;
	s12 =	simm.s32 $0x5F00  }
0x23: {  	[tilespmem:s2], [sflag:$0x5] =	stream.linear.gather [hbm4b:s0+s2], $0x6400, $0x38;
	[tilespmem:$0x1A400] =	vst v63  }
0x24: {  	_ =	swait.ge [sflag:s31], $0x6400  }
0x25: {  	[sflag:s31] =	ssyncset.done $0x0  }
0x26: {  	[sflag:s31] =	ssyncadd.s32 $0xFFFF9C00  }
0x27: {  	[tilespmem:s8], [sflag:$0x1] =	stream.indirect.gather [hbm4b:s3+s11], $0x20, s2, s11, $0xb8;
	[tilespmem:$0x1A400] =	vst v63  }
0x28: {  	_ = 	snop  }
0x29: {  	[tilespmem:s7], [sflag:$0x2] =	stream.indirect.gather [hbm4b:s3+s11], $0x20, s11, s11, $0xb8;
	[tilespmem:$0x1A400] =	vst v63  }
0x2a: {  	_ =	swait.ge [sflag:s10], $0xA000  }
0x2b: {  	[sflag:s10] =	ssyncset.done $0x0  }
0x2c: {  	s0 =	rddreg [dreg:$0x5];
	[sflag:s10] =	ssyncadd.s32 $0xFFFF6000  }
0x2d: {  	[hbm4b:s0+s2] =	stream.linear.scatter [tilespmem:s8], [sflag:$0x3], $0xA000, $0x38;
	[tilespmem:$0x1A400] =	vst v63  }
0x2e: {  	_ =	swait.ge [sflag:s5], $0xA000  }
0x2f: {  	[sflag:s5] =	ssyncset.done $0x0  }
0x30: {  	[sflag:s5] =	ssyncadd.s32 $0xFFFF6000  }
0x31: {  	[tilespmem:s8], [sflag:$0x1] =	stream.indirect.gather [hbm4b:s3+s11], $0x20, s30, s11, $0xb8;
	[tilespmem:$0x1A400] =	vst v63  }
0x32: {  	_ =	swait.ge [sflag:s9], $0xA000  }
0x33: {  	[sflag:s9] =	ssyncset.done $0x0  }
0x34: {  	s0 =	rddreg [dreg:$0x6];
	[sflag:s9] =	ssyncadd.s32 $0xFFFF6000  }
0x35: {  	[hbm4b:s0+s2] =	stream.linear.scatter [tilespmem:s7], [sflag:$0x4], $0xA000, $0x38;
	[tilespmem:$0x1A400] =	vst v63  }
0x36: {  	_ =	swait.ge [sflag:s6], $0xA000  }
0x37: {  	[sflag:s6] =	ssyncset.done $0x0  }
0x38: {  	[sflag:s6] =	ssyncadd.s32 $0xFFFF6000  }
0x39: {  	[tilespmem:s7], [sflag:$0x2] =	stream.indirect.gather [hbm4b:s3+s11], $0x20, s29, s11, $0xb8;
	[tilespmem:$0x1A400] =	vst v63  }
0x3a: {  	_ =	swait.ge [sflag:s10], $0xA000  }
0x3b: {  	[sflag:s10] =	ssyncset.done $0x0  }
0x3c: {  	s0 =	rddreg [dreg:$0x7];
	[sflag:s10] =	ssyncadd.s32 $0xFFFF6000  }
0x3d: {  	[hbm4b:s0+s2] =	stream.linear.scatter [tilespmem:s8], [sflag:$0x3], $0xA000, $0x38;
	[tilespmem:$0x1A400] =	vst v63  }
0x3e: {  	_ =	swait.ge [sflag:s5], $0xA000  }
0x3f: {  	[sflag:s5] =	ssyncset.done $0x0  }
0x40: {  	[sflag:s5] =	ssyncadd.s32 $0xFFFF6000  }
0x41: {  	[tilespmem:s8], [sflag:$0x1] =	stream.indirect.gather [hbm4b:s3+s11], $0x20, s28, s11, $0xb8;
	[tilespmem:$0x1A400] =	vst v63  }
0x42: {  	_ =	swait.ge [sflag:s9], $0xA000  }
0x43: {  	[sflag:s9] =	ssyncset.done $0x0  }
0x44: {  	s0 =	rddreg [dreg:$0x8];
	[sflag:s9] =	ssyncadd.s32 $0xFFFF6000  }
0x45: {  	[hbm4b:s0+s2] =	stream.linear.scatter [tilespmem:s7], [sflag:$0x4], $0xA000, $0x38;
	[tilespmem:$0x1A400] =	vst v63  }
0x46: {  	_ =	swait.ge [sflag:s6], $0xA000  }
0x47: {  	[sflag:s6] =	ssyncset.done $0x0  }
0x48: {  	[sflag:s6] =	ssyncadd.s32 $0xFFFF6000  }
0x49: {  	[tilespmem:s7], [sflag:$0x2] =	stream.indirect.gather [hbm4b:s3+s11], $0x20, s26, s11, $0xb8;
	[tilespmem:$0x1A400] =	vst v63  }
0x4a: {  	_ =	swait.ge [sflag:s10], $0xA000  }
0x4b: {  	[sflag:s10] =	ssyncset.done $0x0  }
0x4c: {  	s0 =	rddreg [dreg:$0x9];
	[sflag:s10] =	ssyncadd.s32 $0xFFFF6000  }
0x4d: {  	[hbm4b:s0+s2] =	stream.linear.scatter [tilespmem:s8], [sflag:$0x3], $0xA000, $0x38;
	[tilespmem:$0x1A400] =	vst v63  }
0x4e: {  	_ =	swait.ge [sflag:s5], $0xA000  }
0x4f: {  	[sflag:s5] =	ssyncset.done $0x0  }
0x50: {  	[sflag:s5] =	ssyncadd.s32 $0xFFFF6000  }
0x51: {  	[tilespmem:s8], [sflag:$0x1] =	stream.indirect.gather [hbm4b:s3+s11], $0x20, s25, s11, $0xb8;
	[tilespmem:$0x1A400] =	vst v63  }
0x52: {  	_ =	swait.ge [sflag:s9], $0xA000  }
0x53: {  	[sflag:s9] =	ssyncset.done $0x0  }
0x54: {  	s0 =	rddreg [dreg:$0xa];
	[sflag:s9] =	ssyncadd.s32 $0xFFFF6000  }
0x55: {  	[hbm4b:s0+s2] =	stream.linear.scatter [tilespmem:s7], [sflag:$0x4], $0xA000, $0x38;
	[tilespmem:$0x1A400] =	vst v63  }
0x56: {  	_ =	swait.ge [sflag:s6], $0xA000  }
0x57: {  	[sflag:s6] =	ssyncset.done $0x0  }
0x58: {  	[sflag:s6] =	ssyncadd.s32 $0xFFFF6000  }
0x59: {  	[tilespmem:s7], [sflag:$0x2] =	stream.indirect.gather [hbm4b:s3+s11], $0x20, s24, s11, $0xb8;
	[tilespmem:$0x1A400] =	vst v63  }
0x5a: {  	_ =	swait.ge [sflag:s10], $0xA000  }
0x5b: {  	[sflag:s10] =	ssyncset.done $0x0  }
0x5c: {  	s0 =	rddreg [dreg:$0xb];
	[sflag:s10] =	ssyncadd.s32 $0xFFFF6000  }
0x5d: {  	[hbm4b:s0+s2] =	stream.linear.scatter [tilespmem:s8], [sflag:$0x3], $0xA000, $0x38;
	[tilespmem:$0x1A400] =	vst v63  }
0x5e: {  	_ =	swait.ge [sflag:s5], $0xA000  }
0x5f: {  	[sflag:s5] =	ssyncset.done $0x0  }
0x60: {  	[sflag:s5] =	ssyncadd.s32 $0xFFFF6000  }
0x61: {  	[tilespmem:s8], [sflag:$0x1] =	stream.indirect.gather [hbm4b:s3+s11], $0x20, s23, s11, $0xb8;
	[tilespmem:$0x1A400] =	vst v63  }
0x62: {  	_ =	swait.ge [sflag:s9], $0xA000  }
0x63: {  	[sflag:s9] =	ssyncset.done $0x0  }
0x64: {  	s0 =	rddreg [dreg:$0xc];
	[sflag:s9] =	ssyncadd.s32 $0xFFFF6000  }
0x65: {  	[hbm4b:s0+s2] =	stream.linear.scatter [tilespmem:s7], [sflag:$0x4], $0xA000, $0x38;
	[tilespmem:$0x1A400] =	vst v63  }
0x66: {  	_ =	swait.ge [sflag:s6], $0xA000  }
0x67: {  	[sflag:s6] =	ssyncset.done $0x0  }
0x68: {  	[sflag:s6] =	ssyncadd.s32 $0xFFFF6000  }
0x69: {  	[tilespmem:s7], [sflag:$0x2] =	stream.indirect.gather [hbm4b:s3+s11], $0x20, s22, s11, $0xb8;
	[tilespmem:$0x1A400] =	vst v63  }
0x6a: {  	_ =	swait.ge [sflag:s10], $0xA000  }
0x6b: {  	[sflag:s10] =	ssyncset.done $0x0  }
0x6c: {  	s0 =	rddreg [dreg:$0xd];
	[sflag:s10] =	ssyncadd.s32 $0xFFFF6000  }
0x6d: {  	[hbm4b:s0+s2] =	stream.linear.scatter [tilespmem:s8], [sflag:$0x3], $0xA000, $0x38;
	[tilespmem:$0x1A400] =	vst v63  }
0x6e: {  	_ =	swait.ge [sflag:s5], $0xA000  }
0x6f: {  	[sflag:s5] =	ssyncset.done $0x0  }
0x70: {  	[sflag:s5] =	ssyncadd.s32 $0xFFFF6000  }
0x71: {  	[tilespmem:s8], [sflag:$0x1] =	stream.indirect.gather [hbm4b:s3+s11], $0x20, s21, s11, $0xb8;
	[tilespmem:$0x1A400] =	vst v63  }
0x72: {  	_ =	swait.ge [sflag:s9], $0xA000  }
0x73: {  	[sflag:s9] =	ssyncset.done $0x0  }
0x74: {  	s0 =	rddreg [dreg:$0xe];
	[sflag:s9] =	ssyncadd.s32 $0xFFFF6000  }
0x75: {  	[hbm4b:s0+s2] =	stream.linear.scatter [tilespmem:s7], [sflag:$0x4], $0xA000, $0x38;
	[tilespmem:$0x1A400] =	vst v63  }
0x76: {  	_ =	swait.ge [sflag:s6], $0xA000  }
0x77: {  	[sflag:s6] =	ssyncset.done $0x0  }
0x78: {  	[sflag:s6] =	ssyncadd.s32 $0xFFFF6000  }
0x79: {  	[tilespmem:s7], [sflag:$0x2] =	stream.indirect.gather [hbm4b:s3+s11], $0x20, s20, s11, $0xb8;
	[tilespmem:$0x1A400] =	vst v63  }
0x7a: {  	_ =	swait.ge [sflag:s10], $0xA000  }
0x7b: {  	[sflag:s10] =	ssyncset.done $0x0  }
0x7c: {  	s0 =	rddreg [dreg:$0xf];
	[sflag:s10] =	ssyncadd.s32 $0xFFFF6000  }
0x7d: {  	[hbm4b:s0+s2] =	stream.linear.scatter [tilespmem:s8], [sflag:$0x3], $0xA000, $0x38;
	[tilespmem:$0x1A400] =	vst v63  }
0x7e: {  	_ =	swait.ge [sflag:s5], $0xA000  }
0x7f: {  	[sflag:s5] =	ssyncset.done $0x0  }
0x80: {  	[sflag:s5] =	ssyncadd.s32 $0xFFFF6000  }
0x81: {  	[tilespmem:s8], [sflag:$0x1] =	stream.indirect.gather [hbm4b:s3+s11], $0x20, s19, s11, $0xb8;
	[tilespmem:$0x1A400] =	vst v63  }
0x82: {  	_ =	swait.ge [sflag:s9], $0xA000  }
0x83: {  	[sflag:s9] =	ssyncset.done $0x0  }
0x84: {  	s0 =	rddreg [dreg:$0x10];
	[sflag:s9] =	ssyncadd.s32 $0xFFFF6000  }
0x85: {  	[hbm4b:s0+s2] =	stream.linear.scatter [tilespmem:s7], [sflag:$0x4], $0xA000, $0x38;
	[tilespmem:$0x1A400] =	vst v63  }
0x86: {  	_ =	swait.ge [sflag:s6], $0xA000  }
0x87: {  	[sflag:s6] =	ssyncset.done $0x0  }
0x88: {  	[sflag:s6] =	ssyncadd.s32 $0xFFFF6000  }
0x89: {  	[tilespmem:s7], [sflag:$0x2] =	stream.indirect.gather [hbm4b:s3+s11], $0x20, s18, s11, $0xb8;
	[tilespmem:$0x1A400] =	vst v63  }
0x8a: {  	_ =	swait.ge [sflag:s10], $0xA000  }
0x8b: {  	[sflag:s10] =	ssyncset.done $0x0  }
0x8c: {  	s0 =	rddreg [dreg:$0x11];
	[sflag:s10] =	ssyncadd.s32 $0xFFFF6000  }
0x8d: {  	[hbm4b:s0+s2] =	stream.linear.scatter [tilespmem:s8], [sflag:$0x3], $0xA000, $0x38;
	[tilespmem:$0x1A400] =	vst v63  }
0x8e: {  	_ =	swait.ge [sflag:s5], $0xA000  }
0x8f: {  	[sflag:s5] =	ssyncset.done $0x0  }
0x90: {  	[sflag:s5] =	ssyncadd.s32 $0xFFFF6000  }
0x91: {  	[tilespmem:s8], [sflag:$0x1] =	stream.indirect.gather [hbm4b:s3+s11], $0x20, s17, s11, $0xb8;
	[tilespmem:$0x1A400] =	vst v63  }
0x92: {  	_ =	swait.ge [sflag:s9], $0xA000  }
0x93: {  	[sflag:s9] =	ssyncset.done $0x0  }
0x94: {  	s0 =	rddreg [dreg:$0x12];
	[sflag:s9] =	ssyncadd.s32 $0xFFFF6000  }
0x95: {  	[hbm4b:s0+s2] =	stream.linear.scatter [tilespmem:s7], [sflag:$0x4], $0xA000, $0x38;
	[tilespmem:$0x1A400] =	vst v63  }
0x96: {  	_ =	swait.ge [sflag:s6], $0xA000  }
0x97: {  	[sflag:s6] =	ssyncset.done $0x0  }
0x98: {  	[sflag:s6] =	ssyncadd.s32 $0xFFFF6000  }
0x99: {  	[tilespmem:s7], [sflag:$0x2] =	stream.indirect.gather [hbm4b:s3+s11], $0x20, s16, s11, $0xb8;
	[tilespmem:$0x1A400] =	vst v63  }
0x9a: {  	_ =	swait.ge [sflag:s10], $0xA000  }
0x9b: {  	[sflag:s10] =	ssyncset.done $0x0  }
0x9c: {  	s0 =	rddreg [dreg:$0x13];
	[sflag:s10] =	ssyncadd.s32 $0xFFFF6000  }
0x9d: {  	[hbm4b:s0+s2] =	stream.linear.scatter [tilespmem:s8], [sflag:$0x3], $0xA000, $0x38;
	[tilespmem:$0x1A400] =	vst v63  }
0x9e: {  	_ =	swait.ge [sflag:s5], $0xA000  }
0x9f: {  	[sflag:s5] =	ssyncset.done $0x0  }
0xa0: {  	[sflag:s5] =	ssyncadd.s32 $0xFFFF6000  }
0xa1: {  	[tilespmem:s8], [sflag:$0x1] =	stream.indirect.gather [hbm4b:s3+s11], $0x20, s15, s11, $0xb8;
	[tilespmem:$0x1A400] =	vst v63  }
0xa2: {  	_ =	swait.ge [sflag:s9], $0xA000  }
0xa3: {  	[sflag:s9] =	ssyncset.done $0x0  }
0xa4: {  	s0 =	rddreg [dreg:$0x14];
	[sflag:s9] =	ssyncadd.s32 $0xFFFF6000  }
0xa5: {  	[hbm4b:s0+s2] =	stream.linear.scatter [tilespmem:s7], [sflag:$0x4], $0xA000, $0x38;
	[tilespmem:$0x1A400] =	vst v63  }
0xa6: {  	_ =	swait.ge [sflag:s6], $0xA000  }
0xa7: {  	[sflag:s6] =	ssyncset.done $0x0  }
0xa8: {  	[sflag:s6] =	ssyncadd.s32 $0xFFFF6000  }
0xa9: {  	[tilespmem:s7], [sflag:$0x2] =	stream.indirect.gather [hbm4b:s3+s11], $0x20, s14, s11, $0xb8;
	[tilespmem:$0x1A400] =	vst v63  }
0xaa: {  	_ =	swait.ge [sflag:s10], $0xA000  }
0xab: {  	[sflag:s10] =	ssyncset.done $0x0  }
0xac: {  	s0 =	rddreg [dreg:$0x15];
	[sflag:s10] =	ssyncadd.s32 $0xFFFF6000  }
0xad: {  	[hbm4b:s0+s2] =	stream.linear.scatter [tilespmem:s8], [sflag:$0x3], $0xA000, $0x38;
	[tilespmem:$0x1A400] =	vst v63  }
0xae: {  	_ =	swait.ge [sflag:s5], $0xA000  }
0xaf: {  	[sflag:s5] =	ssyncset.done $0x0  }
0xb0: {  	[sflag:s5] =	ssyncadd.s32 $0xFFFF6000  }
0xb1: {  	[tilespmem:s8], [sflag:$0x1] =	stream.indirect.gather [hbm4b:s3+s11], $0x20, s13, s11, $0xb8;
	[tilespmem:$0x1A400] =	vst v63  }
0xb2: {  	_ =	swait.ge [sflag:s9], $0xA000  }
0xb3: {  	[sflag:s9] =	ssyncset.done $0x0  }
0xb4: {  	s0 =	rddreg [dreg:$0x16];
	[sflag:s9] =	ssyncadd.s32 $0xFFFF6000  }
0xb5: {  	[hbm4b:s0+s2] =	stream.linear.scatter [tilespmem:s7], [sflag:$0x4], $0xA000, $0x38;
	[tilespmem:$0x1A400] =	vst v63  }
0xb6: {  	_ =	swait.ge [sflag:s6], $0xA000  }
0xb7: {  	[sflag:s6] =	ssyncset.done $0x0  }
0xb8: {  	[sflag:s6] =	ssyncadd.s32 $0xFFFF6000  }
0xb9: {  	[tilespmem:s7], [sflag:$0x2] =	stream.indirect.gather [hbm4b:s3+s11], $0x20, s12, s11, $0xb8;
	[tilespmem:$0x1A400] =	vst v63  }
0xba: {  	_ =	swait.ge [sflag:s10], $0xA000  }
0xbb: {  	[sflag:s10] =	ssyncset.done $0x0  }
0xbc: {  	s0 =	rddreg [dreg:$0x17];
	[sflag:s10] =	ssyncadd.s32 $0xFFFF6000  }
0xbd: {  	[hbm4b:s0+s2] =	stream.linear.scatter [tilespmem:s8], [sflag:$0x3], $0xA000, $0x38;
	[tilespmem:$0x1A400] =	vst v63  }
0xbe: {  	_ =	swait.ge [sflag:s9], $0xA000  }
0xbf: {  	[sflag:s9] =	ssyncset.done $0x0  }
0xc0: {  	p1 =	sne.s32 s1, $0x1;
	[sflag:s9] =	ssyncadd.s32 $0xFFFF6000  }
0xc1: {  	[hbm4b:s4+s2] =	stream.linear.scatter [tilespmem:s7], [sflag:$0x4], $0xA000, $0x38;
	[tilespmem:$0x1A400] =	vst v63  }
.Ltmp1:
0xc2: {  	_ =	swait.ge [sflag:s5], $0xA000;
	(pc) =	sbr.rel @!p1 .LBB2_3-.Ltmp1, $4  }
0xc3: {  	[sflag:s5] =	ssyncset.done $0x0  }
0xc4: {  	[sflag:s5] =	ssyncadd.s32 $0xFFFF6000  }
0xc5: {  	s1 =	sadd.s32 $0xFFFFFFFF, s1;
	_ =	swait.ge [sflag:s6], $0xA000  }
0xc6: {  	p0 =	por $0x1, $0x1;
	s0 =	rddreg [dreg:$0x4];
	[sflag:s6] =	ssyncset.done $0x0  }
.LBB2_2:
0xc7: {  	[sflag:s6] =	ssyncadd.s32 $0xFFFF6000  }
0xc8: {  	[tilespmem:s2], [sflag:$0x5] =	stream.linear.gather [hbm4b:s0+s2], $0x6400, $0x38;
	[tilespmem:$0x1A400] =	vst v63  }
0xc9: {  	_ =	swait.ge [sflag:s31], $0x6400  }
0xca: {  	[sflag:s31] =	ssyncset.done $0x0  }
0xcb: {  	[sflag:s31] =	ssyncadd.s32 $0xFFFF9C00  }
0xcc: {  	[tilespmem:s8], [sflag:$0x1] =	stream.indirect.gather [hbm4b:s3+s11], $0x20, s2, s11, $0xb8;
	[tilespmem:$0x1A400] =	vst v63  }
0xcd: {  	_ = 	snop  }
0xce: {  	[tilespmem:s7], [sflag:$0x2] =	stream.indirect.gather [hbm4b:s3+s11], $0x20, s11, s11, $0xb8;
	[tilespmem:$0x1A400] =	vst v63  }
0xcf: {  	_ =	swait.ge [sflag:s10], $0xA000  }
0xd0: {  	[sflag:s10] =	ssyncset.done $0x0  }
0xd1: {  	s0 =	rddreg [dreg:$0x5];
	[sflag:s10] =	ssyncadd.s32 $0xFFFF6000  }
0xd2: {  	[hbm4b:s0+s2] =	stream.linear.scatter [tilespmem:s8], [sflag:$0x3], $0xA000, $0x38;
	[tilespmem:$0x1A400] =	vst v63  }
0xd3: {  	_ =	swait.ge [sflag:s5], $0xA000  }
0xd4: {  	[sflag:s5] =	ssyncset.done $0x0  }
0xd5: {  	[sflag:s5] =	ssyncadd.s32 $0xFFFF6000  }
0xd6: {  	[tilespmem:s8], [sflag:$0x1] =	stream.indirect.gather [hbm4b:s3+s11], $0x20, s30, s11, $0xb8;
	[tilespmem:$0x1A400] =	vst v63  }
0xd7: {  	_ =	swait.ge [sflag:s9], $0xA000  }
0xd8: {  	[sflag:s9] =	ssyncset.done $0x0  }
0xd9: {  	s0 =	rddreg [dreg:$0x6];
	[sflag:s9] =	ssyncadd.s32 $0xFFFF6000  }
0xda: {  	[hbm4b:s0+s2] =	stream.linear.scatter [tilespmem:s7], [sflag:$0x4], $0xA000, $0x38;
	[tilespmem:$0x1A400] =	vst v63  }
0xdb: {  	_ =	swait.ge [sflag:s6], $0xA000  }
0xdc: {  	[sflag:s6] =	ssyncset.done $0x0  }
0xdd: {  	[sflag:s6] =	ssyncadd.s32 $0xFFFF6000  }
0xde: {  	[tilespmem:s7], [sflag:$0x2] =	stream.indirect.gather [hbm4b:s3+s11], $0x20, s29, s11, $0xb8;
	[tilespmem:$0x1A400] =	vst v63  }
0xdf: {  	_ =	swait.ge [sflag:s10], $0xA000  }
0xe0: {  	[sflag:s10] =	ssyncset.done $0x0  }
0xe1: {  	s0 =	rddreg [dreg:$0x7];
	[sflag:s10] =	ssyncadd.s32 $0xFFFF6000  }
0xe2: {  	[hbm4b:s0+s2] =	stream.linear.scatter [tilespmem:s8], [sflag:$0x3], $0xA000, $0x38;
	[tilespmem:$0x1A400] =	vst v63  }
0xe3: {  	_ =	swait.ge [sflag:s5], $0xA000  }
0xe4: {  	[sflag:s5] =	ssyncset.done $0x0  }
0xe5: {  	[sflag:s5] =	ssyncadd.s32 $0xFFFF6000  }
0xe6: {  	[tilespmem:s8], [sflag:$0x1] =	stream.indirect.gather [hbm4b:s3+s11], $0x20, s28, s11, $0xb8;
	[tilespmem:$0x1A400] =	vst v63  }
0xe7: {  	_ =	swait.ge [sflag:s9], $0xA000  }
0xe8: {  	[sflag:s9] =	ssyncset.done $0x0  }
0xe9: {  	s0 =	rddreg [dreg:$0x8];
	[sflag:s9] =	ssyncadd.s32 $0xFFFF6000  }
0xea: {  	[hbm4b:s0+s2] =	stream.linear.scatter [tilespmem:s7], [sflag:$0x4], $0xA000, $0x38;
	[tilespmem:$0x1A400] =	vst v63  }
0xeb: {  	_ =	swait.ge [sflag:s6], $0xA000  }
0xec: {  	[sflag:s6] =	ssyncset.done $0x0  }
0xed: {  	[sflag:s6] =	ssyncadd.s32 $0xFFFF6000  }
0xee: {  	[tilespmem:s7], [sflag:$0x2] =	stream.indirect.gather [hbm4b:s3+s11], $0x20, s26, s11, $0xb8;
	[tilespmem:$0x1A400] =	vst v63  }
0xef: {  	_ =	swait.ge [sflag:s10], $0xA000  }
0xf0: {  	[sflag:s10] =	ssyncset.done $0x0  }
0xf1: {  	s0 =	rddreg [dreg:$0x9];
	[sflag:s10] =	ssyncadd.s32 $0xFFFF6000  }
0xf2: {  	[hbm4b:s0+s2] =	stream.linear.scatter [tilespmem:s8], [sflag:$0x3], $0xA000, $0x38;
	[tilespmem:$0x1A400] =	vst v63  }
0xf3: {  	_ =	swait.ge [sflag:s5], $0xA000  }
0xf4: {  	[sflag:s5] =	ssyncset.done $0x0  }
0xf5: {  	[sflag:s5] =	ssyncadd.s32 $0xFFFF6000  }
0xf6: {  	[tilespmem:s8], [sflag:$0x1] =	stream.indirect.gather [hbm4b:s3+s11], $0x20, s25, s11, $0xb8;
	[tilespmem:$0x1A400] =	vst v63  }
0xf7: {  	_ =	swait.ge [sflag:s9], $0xA000  }
0xf8: {  	[sflag:s9] =	ssyncset.done $0x0  }
0xf9: {  	s0 =	rddreg [dreg:$0xa];
	[sflag:s9] =	ssyncadd.s32 $0xFFFF6000  }
0xfa: {  	[hbm4b:s0+s2] =	stream.linear.scatter [tilespmem:s7], [sflag:$0x4], $0xA000, $0x38;
	[tilespmem:$0x1A400] =	vst v63  }
0xfb: {  	_ =	swait.ge [sflag:s6], $0xA000  }
0xfc: {  	[sflag:s6] =	ssyncset.done $0x0  }
0xfd: {  	[sflag:s6] =	ssyncadd.s32 $0xFFFF6000  }
0xfe: {  	[tilespmem:s7], [sflag:$0x2] =	stream.indirect.gather [hbm4b:s3+s11], $0x20, s24, s11, $0xb8;
	[tilespmem:$0x1A400] =	vst v63  }
0xff: {  	_ =	swait.ge [sflag:s10], $0xA000  }
0x100: {  	[sflag:s10] =	ssyncset.done $0x0  }
0x101: {  	s0 =	rddreg [dreg:$0xb];
	[sflag:s10] =	ssyncadd.s32 $0xFFFF6000  }
0x102: {  	[hbm4b:s0+s2] =	stream.linear.scatter [tilespmem:s8], [sflag:$0x3], $0xA000, $0x38;
	[tilespmem:$0x1A400] =	vst v63  }
0x103: {  	_ =	swait.ge [sflag:s5], $0xA000  }
0x104: {  	[sflag:s5] =	ssyncset.done $0x0  }
0x105: {  	[sflag:s5] =	ssyncadd.s32 $0xFFFF6000  }
0x106: {  	[tilespmem:s8], [sflag:$0x1] =	stream.indirect.gather [hbm4b:s3+s11], $0x20, s23, s11, $0xb8;
	[tilespmem:$0x1A400] =	vst v63  }
0x107: {  	_ =	swait.ge [sflag:s9], $0xA000  }
0x108: {  	[sflag:s9] =	ssyncset.done $0x0  }
0x109: {  	s0 =	rddreg [dreg:$0xc];
	[sflag:s9] =	ssyncadd.s32 $0xFFFF6000  }
0x10a: {  	[hbm4b:s0+s2] =	stream.linear.scatter [tilespmem:s7], [sflag:$0x4], $0xA000, $0x38;
	[tilespmem:$0x1A400] =	vst v63  }
0x10b: {  	_ =	swait.ge [sflag:s6], $0xA000  }
0x10c: {  	[sflag:s6] =	ssyncset.done $0x0  }
0x10d: {  	[sflag:s6] =	ssyncadd.s32 $0xFFFF6000  }
0x10e: {  	[tilespmem:s7], [sflag:$0x2] =	stream.indirect.gather [hbm4b:s3+s11], $0x20, s22, s11, $0xb8;
	[tilespmem:$0x1A400] =	vst v63  }
0x10f: {  	_ =	swait.ge [sflag:s10], $0xA000  }
0x110: {  	[sflag:s10] =	ssyncset.done $0x0  }
0x111: {  	s0 =	rddreg [dreg:$0xd];
	[sflag:s10] =	ssyncadd.s32 $0xFFFF6000  }
0x112: {  	[hbm4b:s0+s2] =	stream.linear.scatter [tilespmem:s8], [sflag:$0x3], $0xA000, $0x38;
	[tilespmem:$0x1A400] =	vst v63  }
0x113: {  	_ =	swait.ge [sflag:s5], $0xA000  }
0x114: {  	[sflag:s5] =	ssyncset.done $0x0  }
0x115: {  	[sflag:s5] =	ssyncadd.s32 $0xFFFF6000  }
0x116: {  	[tilespmem:s8], [sflag:$0x1] =	stream.indirect.gather [hbm4b:s3+s11], $0x20, s21, s11, $0xb8;
	[tilespmem:$0x1A400] =	vst v63  }
0x117: {  	_ =	swait.ge [sflag:s9], $0xA000  }
0x118: {  	[sflag:s9] =	ssyncset.done $0x0  }
0x119: {  	s0 =	rddreg [dreg:$0xe];
	[sflag:s9] =	ssyncadd.s32 $0xFFFF6000  }
0x11a: {  	[hbm4b:s0+s2] =	stream.linear.scatter [tilespmem:s7], [sflag:$0x4], $0xA000, $0x38;
	[tilespmem:$0x1A400] =	vst v63  }
0x11b: {  	_ =	swait.ge [sflag:s6], $0xA000  }
0x11c: {  	[sflag:s6] =	ssyncset.done $0x0  }
0x11d: {  	[sflag:s6] =	ssyncadd.s32 $0xFFFF6000  }
0x11e: {  	[tilespmem:s7], [sflag:$0x2] =	stream.indirect.gather [hbm4b:s3+s11], $0x20, s20, s11, $0xb8;
	[tilespmem:$0x1A400] =	vst v63  }
0x11f: {  	_ =	swait.ge [sflag:s10], $0xA000  }
0x120: {  	[sflag:s10] =	ssyncset.done $0x0  }
0x121: {  	s0 =	rddreg [dreg:$0xf];
	[sflag:s10] =	ssyncadd.s32 $0xFFFF6000  }
0x122: {  	[hbm4b:s0+s2] =	stream.linear.scatter [tilespmem:s8], [sflag:$0x3], $0xA000, $0x38;
	[tilespmem:$0x1A400] =	vst v63  }
0x123: {  	_ =	swait.ge [sflag:s5], $0xA000  }
0x124: {  	[sflag:s5] =	ssyncset.done $0x0  }
0x125: {  	[sflag:s5] =	ssyncadd.s32 $0xFFFF6000  }
0x126: {  	[tilespmem:s8], [sflag:$0x1] =	stream.indirect.gather [hbm4b:s3+s11], $0x20, s19, s11, $0xb8;
	[tilespmem:$0x1A400] =	vst v63  }
0x127: {  	_ =	swait.ge [sflag:s9], $0xA000  }
0x128: {  	[sflag:s9] =	ssyncset.done $0x0  }
0x129: {  	s0 =	rddreg [dreg:$0x10];
	[sflag:s9] =	ssyncadd.s32 $0xFFFF6000  }
0x12a: {  	[hbm4b:s0+s2] =	stream.linear.scatter [tilespmem:s7], [sflag:$0x4], $0xA000, $0x38;
	[tilespmem:$0x1A400] =	vst v63  }
0x12b: {  	_ =	swait.ge [sflag:s6], $0xA000  }
0x12c: {  	[sflag:s6] =	ssyncset.done $0x0  }
0x12d: {  	[sflag:s6] =	ssyncadd.s32 $0xFFFF6000  }
0x12e: {  	[tilespmem:s7], [sflag:$0x2] =	stream.indirect.gather [hbm4b:s3+s11], $0x20, s18, s11, $0xb8;
	[tilespmem:$0x1A400] =	vst v63  }
0x12f: {  	_ =	swait.ge [sflag:s10], $0xA000  }
0x130: {  	[sflag:s10] =	ssyncset.done $0x0  }
0x131: {  	s0 =	rddreg [dreg:$0x11];
	[sflag:s10] =	ssyncadd.s32 $0xFFFF6000  }
0x132: {  	[hbm4b:s0+s2] =	stream.linear.scatter [tilespmem:s8], [sflag:$0x3], $0xA000, $0x38;
	[tilespmem:$0x1A400] =	vst v63  }
0x133: {  	_ =	swait.ge [sflag:s5], $0xA000  }
0x134: {  	[sflag:s5] =	ssyncset.done $0x0  }
0x135: {  	[sflag:s5] =	ssyncadd.s32 $0xFFFF6000  }
0x136: {  	[tilespmem:s8], [sflag:$0x1] =	stream.indirect.gather [hbm4b:s3+s11], $0x20, s17, s11, $0xb8;
	[tilespmem:$0x1A400] =	vst v63  }
0x137: {  	_ =	swait.ge [sflag:s9], $0xA000  }
0x138: {  	[sflag:s9] =	ssyncset.done $0x0  }
0x139: {  	s0 =	rddreg [dreg:$0x12];
	[sflag:s9] =	ssyncadd.s32 $0xFFFF6000  }
0x13a: {  	[hbm4b:s0+s2] =	stream.linear.scatter [tilespmem:s7], [sflag:$0x4], $0xA000, $0x38;
	[tilespmem:$0x1A400] =	vst v63  }
0x13b: {  	_ =	swait.ge [sflag:s6], $0xA000  }
0x13c: {  	[sflag:s6] =	ssyncset.done $0x0  }
0x13d: {  	[sflag:s6] =	ssyncadd.s32 $0xFFFF6000  }
0x13e: {  	[tilespmem:s7], [sflag:$0x2] =	stream.indirect.gather [hbm4b:s3+s11], $0x20, s16, s11, $0xb8;
	[tilespmem:$0x1A400] =	vst v63  }
0x13f: {  	_ =	swait.ge [sflag:s10], $0xA000  }
0x140: {  	[sflag:s10] =	ssyncset.done $0x0  }
0x141: {  	s0 =	rddreg [dreg:$0x13];
	[sflag:s10] =	ssyncadd.s32 $0xFFFF6000  }
0x142: {  	[hbm4b:s0+s2] =	stream.linear.scatter [tilespmem:s8], [sflag:$0x3], $0xA000, $0x38;
	[tilespmem:$0x1A400] =	vst v63  }
0x143: {  	_ =	swait.ge [sflag:s5], $0xA000  }
0x144: {  	[sflag:s5] =	ssyncset.done $0x0  }
0x145: {  	[sflag:s5] =	ssyncadd.s32 $0xFFFF6000  }
0x146: {  	[tilespmem:s8], [sflag:$0x1] =	stream.indirect.gather [hbm4b:s3+s11], $0x20, s15, s11, $0xb8;
	[tilespmem:$0x1A400] =	vst v63  }
0x147: {  	_ =	swait.ge [sflag:s9], $0xA000  }
0x148: {  	[sflag:s9] =	ssyncset.done $0x0  }
0x149: {  	s0 =	rddreg [dreg:$0x14];
	[sflag:s9] =	ssyncadd.s32 $0xFFFF6000  }
0x14a: {  	[hbm4b:s0+s2] =	stream.linear.scatter [tilespmem:s7], [sflag:$0x4], $0xA000, $0x38;
	[tilespmem:$0x1A400] =	vst v63  }
0x14b: {  	_ =	swait.ge [sflag:s6], $0xA000  }
0x14c: {  	[sflag:s6] =	ssyncset.done $0x0  }
0x14d: {  	[sflag:s6] =	ssyncadd.s32 $0xFFFF6000  }
0x14e: {  	[tilespmem:s7], [sflag:$0x2] =	stream.indirect.gather [hbm4b:s3+s11], $0x20, s14, s11, $0xb8;
	[tilespmem:$0x1A400] =	vst v63  }
0x14f: {  	_ =	swait.ge [sflag:s10], $0xA000  }
0x150: {  	[sflag:s10] =	ssyncset.done $0x0  }
0x151: {  	s0 =	rddreg [dreg:$0x15];
	[sflag:s10] =	ssyncadd.s32 $0xFFFF6000  }
0x152: {  	[hbm4b:s0+s2] =	stream.linear.scatter [tilespmem:s8], [sflag:$0x3], $0xA000, $0x38;
	[tilespmem:$0x1A400] =	vst v63  }
0x153: {  	_ =	swait.ge [sflag:s5], $0xA000  }
0x154: {  	[sflag:s5] =	ssyncset.done $0x0  }
0x155: {  	[sflag:s5] =	ssyncadd.s32 $0xFFFF6000  }
0x156: {  	[tilespmem:s8], [sflag:$0x1] =	stream.indirect.gather [hbm4b:s3+s11], $0x20, s13, s11, $0xb8;
	[tilespmem:$0x1A400] =	vst v63  }
0x157: {  	_ =	swait.ge [sflag:s9], $0xA000  }
0x158: {  	[sflag:s9] =	ssyncset.done $0x0  }
0x159: {  	s0 =	rddreg [dreg:$0x16];
	[sflag:s9] =	ssyncadd.s32 $0xFFFF6000  }
0x15a: {  	[hbm4b:s0+s2] =	stream.linear.scatter [tilespmem:s7], [sflag:$0x4], $0xA000, $0x38;
	[tilespmem:$0x1A400] =	vst v63  }
0x15b: {  	_ =	swait.ge [sflag:s6], $0xA000  }
0x15c: {  	[sflag:s6] =	ssyncset.done $0x0  }
0x15d: {  	[sflag:s6] =	ssyncadd.s32 $0xFFFF6000  }
0x15e: {  	[tilespmem:s7], [sflag:$0x2] =	stream.indirect.gather [hbm4b:s3+s11], $0x20, s12, s11, $0xb8;
	[tilespmem:$0x1A400] =	vst v63  }
0x15f: {  	_ =	swait.ge [sflag:s10], $0xA000  }
0x160: {  	[sflag:s10] =	ssyncset.done $0x0  }
0x161: {  	s0 =	rddreg [dreg:$0x17];
	[sflag:s10] =	ssyncadd.s32 $0xFFFF6000  }
0x162: {  	[hbm4b:s0+s2] =	stream.linear.scatter [tilespmem:s8], [sflag:$0x3], $0xA000, $0x38;
	[tilespmem:$0x1A400] =	vst v63  }
0x163: {  	_ =	swait.ge [sflag:s9], $0xA000  }
0x164: {  	[sflag:s9] =	ssyncset.done $0x0  }
0x165: {  	p1 =	sne.s32 s1, $0x1;
	[sflag:s9] =	ssyncadd.s32 $0xFFFF6000  }
0x166: {  	[hbm4b:s4+s2] =	stream.linear.scatter [tilespmem:s7], [sflag:$0x4], $0xA000, $0x38;
	[tilespmem:$0x1A400] =	vst v63  }
.Ltmp2:
0x167: {  	_ =	swait.ge [sflag:s5], $0xA000;
	(pc) =	sbr.rel @p1 .LBB2_2-.Ltmp2, $4  }
0x168: {  	[sflag:s5] =	ssyncset.done $0x0  }
0x169: {  	[sflag:s5] =	ssyncadd.s32 $0xFFFF6000  }
0x16a: {  	_ =	swait.ge [sflag:s6], $0xA000  }
0x16b: {  	s1 =	sadd.s32 $0xFFFFFFFF, s1;
	s0 =	rddreg [dreg:$0x4];
	[sflag:s6] =	ssyncset.done $0x0  }
.LBB2_3:
0x16c: {  	[sflag:s6] =	ssyncadd.s32 @p0 $0xFFFF6000  }
0x16d: {  	[tilespmem:s2], [sflag:$0x5] =	stream.linear.gather [hbm4b:s0+s2], $0x6400, $0x38;
	[tilespmem:$0x1A400] =	vst v63  }
0x16e: {  	_ =	swait.ge [sflag:s31], $0x6400  }
0x16f: {  	[sflag:s31] =	ssyncset.done $0x0  }
0x170: {  	[sflag:s31] =	ssyncadd.s32 $0xFFFF9C00  }
0x171: {  	[tilespmem:s8], [sflag:$0x1] =	stream.indirect.gather [hbm4b:s3+s11], $0x20, s2, s11, $0xb8;
	[tilespmem:$0x1A400] =	vst v63  }
0x172: {  	_ = 	snop  }
0x173: {  	[tilespmem:s7], [sflag:$0x2] =	stream.indirect.gather [hbm4b:s3+s11], $0x20, s11, s11, $0xb8;
	[tilespmem:$0x1A400] =	vst v63  }
0x174: {  	_ =	swait.ge [sflag:s10], $0xA000  }
0x175: {  	[sflag:s10] =	ssyncset.done $0x0  }
0x176: {  	s1 =	rddreg [dreg:$0x5];
	[sflag:s10] =	ssyncadd.s32 $0xFFFF6000  }
0x177: {  	[hbm4b:s1+s2] =	stream.linear.scatter [tilespmem:s8], [sflag:$0x3], $0xA000, $0x38;
	[tilespmem:$0x1A400] =	vst v63  }
0x178: {  	_ =	swait.ge [sflag:s5], $0xA000  }
0x179: {  	[sflag:s5] =	ssyncset.done $0x0  }
0x17a: {  	[sflag:s5] =	ssyncadd.s32 $0xFFFF6000  }
0x17b: {  	[tilespmem:s8], [sflag:$0x1] =	stream.indirect.gather [hbm4b:s3+s11], $0x20, s30, s11, $0xb8;
	[tilespmem:$0x1A400] =	vst v63  }
0x17c: {  	_ =	swait.ge [sflag:s9], $0xA000  }
0x17d: {  	[sflag:s9] =	ssyncset.done $0x0  }
0x17e: {  	s30 =	rddreg [dreg:$0x6];
	[sflag:s9] =	ssyncadd.s32 $0xFFFF6000  }
0x17f: {  	[hbm4b:s30+s2] =	stream.linear.scatter [tilespmem:s7], [sflag:$0x4], $0xA000, $0x38;
	[tilespmem:$0x1A400] =	vst v63  }
0x180: {  	_ =	swait.ge [sflag:s6], $0xA000  }
0x181: {  	[sflag:s6] =	ssyncset.done $0x0  }
0x182: {  	[sflag:s6] =	ssyncadd.s32 $0xFFFF6000  }
0x183: {  	[tilespmem:s7], [sflag:$0x2] =	stream.indirect.gather [hbm4b:s3+s11], $0x20, s29, s11, $0xb8;
	[tilespmem:$0x1A400] =	vst v63  }
0x184: {  	_ =	swait.ge [sflag:s10], $0xA000  }
0x185: {  	[sflag:s10] =	ssyncset.done $0x0  }
0x186: {  	s31 =	rddreg [dreg:$0x7];
	[sflag:s10] =	ssyncadd.s32 $0xFFFF6000  }
0x187: {  	[hbm4b:s31+s2] =	stream.linear.scatter [tilespmem:s8], [sflag:$0x3], $0xA000, $0x38;
	[tilespmem:$0x1A400] =	vst v63  }
0x188: {  	_ =	swait.ge [sflag:s5], $0xA000  }
0x189: {  	[sflag:s5] =	ssyncset.done $0x0  }
0x18a: {  	[sflag:s5] =	ssyncadd.s32 $0xFFFF6000  }
0x18b: {  	[tilespmem:s8], [sflag:$0x1] =	stream.indirect.gather [hbm4b:s3+s11], $0x20, s28, s11, $0xb8;
	[tilespmem:$0x1A400] =	vst v63  }
0x18c: {  	_ =	swait.ge [sflag:s9], $0xA000  }
0x18d: {  	[sflag:s9] =	ssyncset.done $0x0  }
0x18e: {  	s1 =	rddreg [dreg:$0x8];
	[sflag:s9] =	ssyncadd.s32 $0xFFFF6000  }
0x18f: {  	[hbm4b:s1+s2] =	stream.linear.scatter [tilespmem:s7], [sflag:$0x4], $0xA000, $0x38;
	[tilespmem:$0x1A400] =	vst v63  }
0x190: {  	_ =	swait.ge [sflag:s6], $0xA000  }
0x191: {  	[sflag:s6] =	ssyncset.done $0x0  }
0x192: {  	[sflag:s6] =	ssyncadd.s32 $0xFFFF6000  }
0x193: {  	[tilespmem:s7], [sflag:$0x2] =	stream.indirect.gather [hbm4b:s3+s11], $0x20, s26, s11, $0xb8;
	[tilespmem:$0x1A400] =	vst v63  }
0x194: {  	_ =	swait.ge [sflag:s10], $0xA000  }
0x195: {  	[sflag:s10] =	ssyncset.done $0x0  }
0x196: {  	s26 =	rddreg [dreg:$0x9];
	[sflag:s10] =	ssyncadd.s32 $0xFFFF6000  }
0x197: {  	[hbm4b:s26+s2] =	stream.linear.scatter [tilespmem:s8], [sflag:$0x3], $0xA000, $0x38;
	[tilespmem:$0x1A400] =	vst v63  }
0x198: {  	_ =	swait.ge [sflag:s5], $0xA000  }
0x199: {  	[sflag:s5] =	ssyncset.done $0x0  }
0x19a: {  	[sflag:s5] =	ssyncadd.s32 $0xFFFF6000  }
0x19b: {  	[tilespmem:s8], [sflag:$0x1] =	stream.indirect.gather [hbm4b:s3+s11], $0x20, s25, s11, $0xb8;
	[tilespmem:$0x1A400] =	vst v63  }
0x19c: {  	_ =	swait.ge [sflag:s9], $0xA000  }
0x19d: {  	[sflag:s9] =	ssyncset.done $0x0  }
0x19e: {  	s28 =	rddreg [dreg:$0xa];
	[sflag:s9] =	ssyncadd.s32 $0xFFFF6000  }
0x19f: {  	[hbm4b:s28+s2] =	stream.linear.scatter [tilespmem:s7], [sflag:$0x4], $0xA000, $0x38;
	[tilespmem:$0x1A400] =	vst v63  }
0x1a0: {  	_ =	swait.ge [sflag:s6], $0xA000  }
0x1a1: {  	[sflag:s6] =	ssyncset.done $0x0  }
0x1a2: {  	[sflag:s6] =	ssyncadd.s32 $0xFFFF6000  }
0x1a3: {  	[tilespmem:s7], [sflag:$0x2] =	stream.indirect.gather [hbm4b:s3+s11], $0x20, s24, s11, $0xb8;
	[tilespmem:$0x1A400] =	vst v63  }
0x1a4: {  	_ =	swait.ge [sflag:s10], $0xA000  }
0x1a5: {  	[sflag:s10] =	ssyncset.done $0x0  }
0x1a6: {  	s29 =	rddreg [dreg:$0xb];
	[sflag:s10] =	ssyncadd.s32 $0xFFFF6000  }
0x1a7: {  	[hbm4b:s29+s2] =	stream.linear.scatter [tilespmem:s8], [sflag:$0x3], $0xA000, $0x38;
	[tilespmem:$0x1A400] =	vst v63  }
0x1a8: {  	_ =	swait.ge [sflag:s5], $0xA000  }
0x1a9: {  	[sflag:s5] =	ssyncset.done $0x0  }
0x1aa: {  	[sflag:s5] =	ssyncadd.s32 $0xFFFF6000  }
0x1ab: {  	[tilespmem:s8], [sflag:$0x1] =	stream.indirect.gather [hbm4b:s3+s11], $0x20, s23, s11, $0xb8;
	[tilespmem:$0x1A400] =	vst v63  }
0x1ac: {  	_ =	swait.ge [sflag:s9], $0xA000  }
0x1ad: {  	[sflag:s9] =	ssyncset.done $0x0  }
0x1ae: {  	s30 =	rddreg [dreg:$0xc];
	[sflag:s9] =	ssyncadd.s32 $0xFFFF6000  }
0x1af: {  	[hbm4b:s30+s2] =	stream.linear.scatter [tilespmem:s7], [sflag:$0x4], $0xA000, $0x38;
	[tilespmem:$0x1A400] =	vst v63  }
0x1b0: {  	_ =	swait.ge [sflag:s6], $0xA000  }
0x1b1: {  	[sflag:s6] =	ssyncset.done $0x0  }
0x1b2: {  	[sflag:s6] =	ssyncadd.s32 $0xFFFF6000  }
0x1b3: {  	[tilespmem:s7], [sflag:$0x2] =	stream.indirect.gather [hbm4b:s3+s11], $0x20, s22, s11, $0xb8;
	[tilespmem:$0x1A400] =	vst v63  }
0x1b4: {  	_ =	swait.ge [sflag:s10], $0xA000  }
0x1b5: {  	[sflag:s10] =	ssyncset.done $0x0  }
0x1b6: {  	s31 =	rddreg [dreg:$0xd];
	[sflag:s10] =	ssyncadd.s32 $0xFFFF6000  }
0x1b7: {  	[hbm4b:s31+s2] =	stream.linear.scatter [tilespmem:s8], [sflag:$0x3], $0xA000, $0x38;
	[tilespmem:$0x1A400] =	vst v63  }
0x1b8: {  	_ =	swait.ge [sflag:s5], $0xA000  }
0x1b9: {  	[sflag:s5] =	ssyncset.done $0x0  }
0x1ba: {  	[sflag:s5] =	ssyncadd.s32 $0xFFFF6000  }
0x1bb: {  	[tilespmem:s8], [sflag:$0x1] =	stream.indirect.gather [hbm4b:s3+s11], $0x20, s21, s11, $0xb8;
	[tilespmem:$0x1A400] =	vst v63  }
0x1bc: {  	_ =	swait.ge [sflag:s9], $0xA000  }
0x1bd: {  	[sflag:s9] =	ssyncset.done $0x0  }
0x1be: {  	s1 =	rddreg [dreg:$0xe];
	[sflag:s9] =	ssyncadd.s32 $0xFFFF6000  }
0x1bf: {  	[hbm4b:s1+s2] =	stream.linear.scatter [tilespmem:s7], [sflag:$0x4], $0xA000, $0x38;
	[tilespmem:$0x1A400] =	vst v63  }
0x1c0: {  	_ =	swait.ge [sflag:s6], $0xA000  }
0x1c1: {  	[sflag:s6] =	ssyncset.done $0x0  }
0x1c2: {  	[sflag:s6] =	ssyncadd.s32 $0xFFFF6000  }
0x1c3: {  	[tilespmem:s7], [sflag:$0x2] =	stream.indirect.gather [hbm4b:s3+s11], $0x20, s20, s11, $0xb8;
	[tilespmem:$0x1A400] =	vst v63  }
0x1c4: {  	_ =	swait.ge [sflag:s10], $0xA000  }
0x1c5: {  	[sflag:s10] =	ssyncset.done $0x0  }
0x1c6: {  	s21 =	rddreg [dreg:$0xf];
	[sflag:s10] =	ssyncadd.s32 $0xFFFF6000  }
0x1c7: {  	[hbm4b:s21+s2] =	stream.linear.scatter [tilespmem:s8], [sflag:$0x3], $0xA000, $0x38;
	[tilespmem:$0x1A400] =	vst v63  }
0x1c8: {  	_ =	swait.ge [sflag:s5], $0xA000  }
0x1c9: {  	[sflag:s5] =	ssyncset.done $0x0  }
0x1ca: {  	[sflag:s5] =	ssyncadd.s32 $0xFFFF6000  }
0x1cb: {  	[tilespmem:s8], [sflag:$0x1] =	stream.indirect.gather [hbm4b:s3+s11], $0x20, s19, s11, $0xb8;
	[tilespmem:$0x1A400] =	vst v63  }
0x1cc: {  	_ =	swait.ge [sflag:s9], $0xA000  }
0x1cd: {  	[sflag:s9] =	ssyncset.done $0x0  }
0x1ce: {  	s22 =	rddreg [dreg:$0x10];
	[sflag:s9] =	ssyncadd.s32 $0xFFFF6000  }
0x1cf: {  	[hbm4b:s22+s2] =	stream.linear.scatter [tilespmem:s7], [sflag:$0x4], $0xA000, $0x38;
	[tilespmem:$0x1A400] =	vst v63  }
0x1d0: {  	_ =	swait.ge [sflag:s6], $0xA000  }
0x1d1: {  	[sflag:s6] =	ssyncset.done $0x0  }
0x1d2: {  	[sflag:s6] =	ssyncadd.s32 $0xFFFF6000  }
0x1d3: {  	[tilespmem:s7], [sflag:$0x2] =	stream.indirect.gather [hbm4b:s3+s11], $0x20, s18, s11, $0xb8;
	[tilespmem:$0x1A400] =	vst v63  }
0x1d4: {  	_ =	swait.ge [sflag:s10], $0xA000  }
0x1d5: {  	[sflag:s10] =	ssyncset.done $0x0  }
0x1d6: {  	s23 =	rddreg [dreg:$0x11];
	[sflag:s10] =	ssyncadd.s32 $0xFFFF6000  }
0x1d7: {  	[hbm4b:s23+s2] =	stream.linear.scatter [tilespmem:s8], [sflag:$0x3], $0xA000, $0x38;
	[tilespmem:$0x1A400] =	vst v63  }
0x1d8: {  	_ =	swait.ge [sflag:s5], $0xA000  }
0x1d9: {  	[sflag:s5] =	ssyncset.done $0x0  }
0x1da: {  	[sflag:s5] =	ssyncadd.s32 $0xFFFF6000  }
0x1db: {  	[tilespmem:s8], [sflag:$0x1] =	stream.indirect.gather [hbm4b:s3+s11], $0x20, s17, s11, $0xb8;
	[tilespmem:$0x1A400] =	vst v63  }
0x1dc: {  	_ =	swait.ge [sflag:s9], $0xA000  }
0x1dd: {  	[sflag:s9] =	ssyncset.done $0x0  }
0x1de: {  	s24 =	rddreg [dreg:$0x12];
	[sflag:s9] =	ssyncadd.s32 $0xFFFF6000  }
0x1df: {  	[hbm4b:s24+s2] =	stream.linear.scatter [tilespmem:s7], [sflag:$0x4], $0xA000, $0x38;
	[tilespmem:$0x1A400] =	vst v63  }
0x1e0: {  	_ =	swait.ge [sflag:s6], $0xA000  }
0x1e1: {  	[sflag:s6] =	ssyncset.done $0x0  }
0x1e2: {  	[sflag:s6] =	ssyncadd.s32 $0xFFFF6000  }
0x1e3: {  	[tilespmem:s7], [sflag:$0x2] =	stream.indirect.gather [hbm4b:s3+s11], $0x20, s16, s11, $0xb8;
	[tilespmem:$0x1A400] =	vst v63  }
0x1e4: {  	_ =	swait.ge [sflag:s10], $0xA000  }
0x1e5: {  	[sflag:s10] =	ssyncset.done $0x0  }
0x1e6: {  	s25 =	rddreg [dreg:$0x13];
	[sflag:s10] =	ssyncadd.s32 $0xFFFF6000  }
0x1e7: {  	[hbm4b:s25+s2] =	stream.linear.scatter [tilespmem:s8], [sflag:$0x3], $0xA000, $0x38;
	[tilespmem:$0x1A400] =	vst v63  }
0x1e8: {  	_ =	swait.ge [sflag:s5], $0xA000  }
0x1e9: {  	[sflag:s5] =	ssyncset.done $0x0  }
0x1ea: {  	[sflag:s5] =	ssyncadd.s32 $0xFFFF6000  }
0x1eb: {  	[tilespmem:s8], [sflag:$0x1] =	stream.indirect.gather [hbm4b:s3+s11], $0x20, s15, s11, $0xb8;
	[tilespmem:$0x1A400] =	vst v63  }
0x1ec: {  	_ =	swait.ge [sflag:s9], $0xA000  }
0x1ed: {  	[sflag:s9] =	ssyncset.done $0x0  }
0x1ee: {  	s26 =	rddreg [dreg:$0x14];
	[sflag:s9] =	ssyncadd.s32 $0xFFFF6000  }
0x1ef: {  	[hbm4b:s26+s2] =	stream.linear.scatter [tilespmem:s7], [sflag:$0x4], $0xA000, $0x38;
	[tilespmem:$0x1A400] =	vst v63  }
0x1f0: {  	_ =	swait.ge [sflag:s6], $0xA000  }
0x1f1: {  	[sflag:s6] =	ssyncset.done $0x0  }
0x1f2: {  	[sflag:s6] =	ssyncadd.s32 $0xFFFF6000  }
0x1f3: {  	[tilespmem:s7], [sflag:$0x2] =	stream.indirect.gather [hbm4b:s3+s11], $0x20, s14, s11, $0xb8;
	[tilespmem:$0x1A400] =	vst v63  }
0x1f4: {  	_ =	swait.ge [sflag:s10], $0xA000  }
0x1f5: {  	[sflag:s10] =	ssyncset.done $0x0  }
0x1f6: {  	s28 =	rddreg [dreg:$0x15];
	[sflag:s10] =	ssyncadd.s32 $0xFFFF6000  }
0x1f7: {  	[hbm4b:s28+s2] =	stream.linear.scatter [tilespmem:s8], [sflag:$0x3], $0xA000, $0x38;
	[tilespmem:$0x1A400] =	vst v63  }
0x1f8: {  	_ =	swait.ge [sflag:s5], $0xA000  }
0x1f9: {  	[sflag:s5] =	ssyncset.done $0x0  }
0x1fa: {  	[sflag:s5] =	ssyncadd.s32 $0xFFFF6000  }
0x1fb: {  	[tilespmem:s8], [sflag:$0x1] =	stream.indirect.gather [hbm4b:s3+s11], $0x20, s13, s11, $0xb8;
	[tilespmem:$0x1A400] =	vst v63  }
0x1fc: {  	_ =	swait.ge [sflag:s9], $0xA000  }
0x1fd: {  	[sflag:s9] =	ssyncset.done $0x0  }
0x1fe: {  	s29 =	rddreg [dreg:$0x16];
	[sflag:s9] =	ssyncadd.s32 $0xFFFF6000  }
0x1ff: {  	[hbm4b:s29+s2] =	stream.linear.scatter [tilespmem:s7], [sflag:$0x4], $0xA000, $0x38;
	[tilespmem:$0x1A400] =	vst v63  }
0x200: {  	_ =	swait.ge [sflag:s6], $0xA000  }
0x201: {  	[sflag:s6] =	ssyncset.done $0x0  }
0x202: {  	[sflag:s6] =	ssyncadd.s32 $0xFFFF6000  }
0x203: {  	[tilespmem:s7], [sflag:$0x2] =	stream.indirect.gather [hbm4b:s3+s11], $0x20, s12, s11, $0xb8;
	[tilespmem:$0x1A400] =	vst v63  }
0x204: {  	_ =	swait.ge [sflag:s10], $0xA000  }
0x205: {  	[sflag:s10] =	ssyncset.done $0x0  }
0x206: {  	s30 =	rddreg [dreg:$0x17];
	[sflag:s10] =	ssyncadd.s32 $0xFFFF6000  }
0x207: {  	[hbm4b:s30+s2] =	stream.linear.scatter [tilespmem:s8], [sflag:$0x3], $0xA000, $0x38;
	[tilespmem:$0x1A400] =	vst v63  }
0x208: {  	_ =	swait.ge [sflag:s9], $0xA000  }
0x209: {  	[sflag:s9] =	ssyncset.done $0x0  }
0x20a: {  	[sflag:s9] =	ssyncadd.s32 $0xFFFF6000  }
0x20b: {  	[hbm4b:s4+s2] =	stream.linear.scatter [tilespmem:s7], [sflag:$0x4], $0xA000, $0x38;
	[tilespmem:$0x1A400] =	vst v63  }
0x20c: {  	_ =	swait.ge [sflag:s5], $0xA000  }
0x20d: {  	[sflag:s5] =	ssyncset.done $0x0  }
0x20e: {  	[sflag:s5] =	ssyncadd.s32 $0xFFFF6000  }
0x20f: {  	_ =	swait.ge [sflag:s6], $0xA000  }
0x210: {  	[sflag:s6] =	ssyncset.done $0x0  }
0x211: {  	[sflag:s6] =	ssyncadd.s32 $0xFFFF6000  }
0x212: {  	_ =	sfence.sel $0x180000  }
0x213: {  	[bflag:$0x0] =	sbarrier.arrive $0xFFFF  }
0x214: {  	_ =	strace $0x90000047  }
0x215: {  	s31 =	stileid.u32;
	[bflag:$0x2] =	sbarrier.arrive $0xFFFF  }
0x216: {  	p0 =	sne.s32 s31, $0x0;
	s0 =	rddreg [dreg:$0x3]  }
0x217: {  	s0 =	sadd.s32 @!p0 $0x100000, s0  }
0x218: {  	[sflag:s0] =	ssyncadd.tile.s32 @!p0 $0x1;
	_ =	shalt  }
.Lfunc_end2:
_tile_overlayer_lowered:
.L_overlay_start_2:
0x219: {  	(tag) =	ssettag $0x2  }
0x21a: {  	s0 =	rddreg [dreg:$0x0];
	s2 =	stileid.u32  }
0x21b: {  	s1 =	rddreg [dreg:$0x1];
	p0 =	sne.s32 s2, $0x0  }
0x21c: {  	s3 =	rddreg [dreg:$0x2];
	[bflag:$0x3] =	sbarrier.arrive $0xFFFF;
	s2 =	simm.s32 @!p0 $0x1C05  }
0x21d: {  	[timem:s3], [sflag:s2] =	dma.local @!p0 [hbm:s0], s1  }
0x21e: {  	s0 =	simm.s32 @!p0 $0x5  }
0x21f: {  	_ =	swait.ge @!p0 [sflag:s0], s1  }
0x220: {  	s1 =	ssub.s32 @!p0 $0x0, s1;
	[sflag:s0] =	ssyncset.done @!p0 $0x0  }
0x221: {  	[sflag:s0] =	ssyncadd.s32 @!p0 s1  }
0x222: {  	[bflag:$0x3] =	sbarrier.arrive $0xFFFF  }
0x223: {  	_ =	shalt  }

// kernel: sparse-core-data-format-call.cloned.1.call-start
scs
called_computation_lowered:
.L_overlay_start_0:
0x0: {  	s2 =	sld [smem:$0x3FD9]  }
0x1: {  	s3 =	sld [smem:$0x3FFE];
	_ =	sdelay $0x1  }
0x2: {  	s1 =	srdreg.scid  }
0x3: {  	s0 =	sand.u32 $0x1, s1  }
0x4: {  	s18 =	sshll.u32 s0, $0xA;
	s2 =	sadd.s32 s3, s2  }
0x5: {  	s2 =	sadd.s32 s2, s18  }
0x6: {  	[smem:$0x3FC6] =	sst s2  }
0x7: {  	_ = 	snop  }
0x8: {  	s2 =	sld [smem:$0x3FD0];
	(tm) =	ssettm $0x1  }
0x9: {  	s19 =	sld [smem:$0x3FFB];
	_ =	sdelay $0x3  }
0xa: {  	_ =	strace s19  }
0xb: {  	s3 =	sld [smem:$0x3FFC];
	_ =	sdelay $0x3  }
0xc: {  	_ =	strace s3  }
0xd: {  	s3 =	sld [smem:$0x3FFD];
	_ =	sdelay $0x3  }
0xe: {  	_ =	strace s3  }
0xf: {  	_ =	strace $0x8FFFFFFF  }
0x10: {  	s20 =	sld [smem:$0x3FDB];
	_ =	sdelay $0x1  }
0x11: {  	s4 =	simm.s32 $_scs_section_size  }
0x12: {  	s5 =	simm.s32 $_size__tile_overlayer_lowered;
	s6 =	simm.s32 $_tile_overlayer_lowered  }
0x13: {  	s23 =	simm.s32 $0x1BFF;
	s22 =	sshll.u32 s6, $0x1;
	s3 =	sadd.s32 s4, s20  }
0x14: {  	s7 =	simm.s32 $0x0;
	s21 =	sshll.u32 s5, $0x1;
	s5 =	sadd.s32 s22, s3  }
0x15: {  	[timem:s7], [sflag:s23] =	dma.local [hbm:s5], s21  }
0x16: {  	_ =	swait.ge [sflag:s23], s21  }
0x17: {  	s4 =	ssub.s32 $0x0, s21;
	[sflag:s23] =	ssyncset.done $0x0  }
0x18: {  	[sflag:s23] =	ssyncadd.s32 s4;
	_ =	sdelay $0x1  }
0x19: {  	s24 =	simm.s32 $0x1B8B  }
0x1a: {  	_ =	swait.ge [sflag:s24], $0x1  }
0x1b: {  	[sflag:s24] =	ssyncset.done $0x0  }
0x1c: {  	s26 =	simm.s32 $0x1B8E;
	s25 =	sld [smem:$0x3FFE];
	[sflag:s24] =	ssyncadd.s32 $0xFFFFFFFF  }
0x1d: {  	s27 =	simm.s32 $execute0_lowered;
	[smem:$0x3FD2] =	sst s26  }
0x1e: {  	s5 =	sshll.u32 s27, $0x1;
	_ =	strace $0x80000049;
	[dreg:$0x1] =	wrdreg $0xFFFFFFFF  }
0x1f: {  	s28 =	simm.s32 $_size_execute0_lowered;
	s3 =	sadd.s32 s3, s5;
	[dreg:$0x0] =	wrdreg $0x0  }
0x20: {  	s5 =	sshll.u32 s28, $0x1;
	[dreg:$0x2] =	wrdreg s3  }
0x21: {  	[dreg:$0x3] =	wrdreg s5  }
0x22: {  	[dreg:$0x4] =	wrdreg $0xC0  }
0x23: {  	_ =	task [dreg:s7], $0x5FFFF  }
0x24: {  	[dreg:$0x1] =	wrdreg $0xFFFFFFFF  }
0x25: {  	[dreg:$0x0] =	wrdreg $0x60  }
0x26: {  	[dreg:$0x2] =	wrdreg s25  }
0x27: {  	[dreg:$0x3] =	wrdreg s2  }
0x28: {  	[dreg:$0x4] =	wrdreg $0x9  }
0x29: {  	_ =	task.clear_ibuf [dreg:s7], $0x5FFFF;
	_ =	strace $0x90000049  }
0x2a: {  	s29 =	simm.s32 $0x9;
	_ =	strace $0x8000004B  }
0x2b: {  	_ =	swait.ge [sflag:s29], $0x1  }
0x2c: {  	[sflag:s29] =	ssyncadd.s32 $0xFFFFFFFF  }
0x2d: {  	_ =	strace $0x9000004B  }
0x2e: {  	_ =	sfence  }
0x2f: {  	s30 =	sld [smem:$0x0];
	_ =	sdelay $0x2  }
0x30: {  	s31 =	sshll.u32 s1, $0xD;
	s1 =	sshrl.u32 s1, $0x2  }
0x31: {  	s3 =	sand.u32 $0x4000, s31;
	s1 =	sadd.s32 s1, s30  }
0x32: {  	s0 =	sor.u32 s3, s0;
	s1 =	sshll.u32 s1, $0x11  }
0x33: {  	s0 =	sor.u32 s1, s0  }
0x34: {  	s0 =	sadd.s32 $0x8F2B, s0  }
0x35: {  	[sflag:s0] =	ssyncadd.remote.s32 $0x1  }
0x36: {  	_ =	sfence.sel $0xFFFF  }
0x37: {  	[dreg:$0x0] =	wrdreg $0xFFFFFFFF;
	(pc) =	sbr.abs _section_cstart, $3  }
0x38: {  	[dreg:$0x1] =	wrdreg $0xFFFFFFFF  }
0x39: {  	_ =	task.clear_ibuf [dreg:s7], $0x2FFFF;
	_ =	strace $0x9FFFFFFF  }
0x3a: {  	(tm) =	ssettm $0x7FFFFFFF  }
0x3b: {  	_ =	shalt  }
tec
execute0_lowered:
.L_overlay_start_1:
0x0: {  	(tag) =	ssettag $0x1  }
0x1: {  	s0 =	srdreg.scid  }
0x2: {  	s1 =	sshll.u32 s0, $0x4  }
0x3: {  	s4 =	rddreg [dreg:$0x0];
	s0 =	stileid.u32;
	s1 =	sand.u32 $0x10, s1  }
0x4: {  	s2 =	rddreg [dreg:$0x1];
	s7 =	simm.s32 $0x1;
	s1 =	sor.u32 s0, s1  }
0x5: {  	s8 =	simm.s32 $0x2;
	s11 =	simm.s32 $0x0;
	s3 =	sshll.u32 s1, $0x7  }
0x6: {  	s10 =	simm.s32 $0x0;
	s4 =	sadd.s32 $0x800, s4;
	s6 =	ssub.s32 $0xC8000, s3  }
.Ltmp0:
0x7: {  	s1 =	rddreg [dreg:$0x2];
	s5 =	sand.u32 $0xF80, s6;
	(pc) =	sbr.rel .LBB1_1-.Ltmp0, $4  }
0x8: {  	_ =	strace $0x8000004A;
	s9 =	smov.u32 s3;
	p0 =	sne.s32 s5, $0x0  }
0x9: {  	s6 =	sshrl.u32 s6, $0xC;
	s5 =	simm.s32 $0x1;
	s7 =	simm.s32 @!p0 $0x0  }
0xa: {  	[sflag:s5] =	ssyncpa.u1 $0x0;
	p0 =	por $0x0, $0x0;
	s6 =	sadd.s32 s7, s6  }
0xb: {  	[sflag:s8] =	ssyncpa.u1 $0x0;
	s8 =	simm.s32 $0x640000;
	s7 =	sadd.s32 $0x1, s6  }
.LBB1_4:
0xc: {  	s14 =	sshll.u32 s11, $0x3  }
0xd: {  	s30 =	sand.u32 $0x7F, s11;
	s15 =	sand.u32 $0xFFFFFC00, s14  }
0xe: {  	s11 =	sor.u32 s30, s15  }
0xf: {  	s15 =	smulhi.u32 $0x51EB851F, s11  }
0x10: {  	s14 =	smulhi.u32 $0x51EB851F, s14  }
0x11: {  	s15 =	sshrl.u32 s15, $0x12  }
0x12: {  	s14 =	sshrl.u32 s14, $0x12;
	s15 =	smul.u32 $0xC8000, s15  }
0x13: {  	s14 =	sand.u32 $0x1F, s14  }
0x14: {  	s14 =	smul.u32 $0x19000, s14;
	s11 =	ssub.s32 s11, s15  }
0x15: {  	s15 =	sand.u32 $0x7, s11  }
0x16: {  	s14 =	sadd.s32 s2, s14;
	s11 =	sshrl.u32 s11, $0x3;
	s15 =	sshll.u32 s15, $0x12  }
0x17: {  	[tilespmem:s13+$0x0 ss:$0x81] =	vst.msk $0xffff, v0;
	s11 =	sadd.s32 s11, s14;
	s31 =	sor.u32 $0x400, s15  }
0x18: {  	[hbm4b:s11+s31] =	stream.strided.scatter [tilespmem:s12], [sflag:$0x2], $0x1000, s8, s31, $0x20;
	[tilespmem:$0x4040] =	vst v63  }
.LBB1_5:
0x19: {  	s13 =	sadd.s32 $0x1000, s9  }
0x1a: {  	p2 =	sgt.s32 s13, $0xC7FFF  }
0x1b: {  	s13 =	smov.u32 @p2 s3;
	p2 =	sne.s32 s10, s7  }
.Ltmp1:
0x1c: {  	p1 =	slt.u32 s10, $0x2;
	(pc) =	sbr.rel @!p2 .LBB1_6-.Ltmp1, $4  }
0x1d: {  	s12 =	simm.s32 @!p1 $0x2  }
0x1e: {  	s14 =	sadd.s32 $0x1, s10;
	_ =	swait.ge @!p1 [sflag:s12], $0x1000  }
0x1f: {  	s11 =	smov.u32 s9;
	p0 =	por !p0, !p0;
	[sflag:s12] =	ssyncset.done @!p1 $0x0  }
0x20: {  	s10 =	smov.u32 s14;
	s9 =	smov.u32 s13;
	[sflag:s12] =	ssyncadd.s32 @!p1 $0xFFFFF000  }
.LBB1_1:
0x21: {  	p1 =	sge.u32 s10, s6  }
0x22: {  	s12 =	sand.u32 @!p1 $0x1FFFFFF, s9  }
0x23: {  	s13 =	smulhi.u32 @!p1 $0x147AE15, s12;
	_ =	sdelay $0x1  }
0x24: {  	s13 =	sshrl.u32 @!p1 s13, $0xC  }
0x25: {  	s13 =	smul.u32 @!p1 $0xC8000, s13;
	_ =	sdelay $0x1  }
0x26: {  	s31 =	sadd.s32 $0xFFFFFFFF, s10;
	s14 =	sxor.u32 @!p1 $0xFFFFFFFF, s10;
	s12 =	ssub.s32 @!p1 s12, s13  }
0x27: {  	s15 =	simm.s32 @!p1 $0x80;
	s14 =	sshll.u32 @!p1 s14, $0xC;
	s12 =	sshll.u32 @!p1 s12, $0x4  }
0x28: {  	s13 =	sand.u32 @!p1 $0x1000, s14;
	s14 =	simm.s32 @!p1 $0x20;
	s12 =	sadd.s32 @!p1 s4, s12  }
0x29: {  	[tilespmem:s13], [sflag:$0x1] =	stream.strided.gather @!p1 [hbm4b:s12+s14], $0x1000, s15, s14, $0x38;
	[tilespmem:$0x4040] =	vst v63  }
0x2a: {  	p1 =	sge.u32 s31, s6  }
.Ltmp2:
0x2b: {  	_ = 	snop;
	(pc) =	sbr.rel @p1 .LBB1_5-.Ltmp2, $1  }
0x2c: {  	_ =	sdelay $0x3  }
0x2d: {  	s12 =	simm.s32 $0x1  }
0x2e: {  	_ =	swait.ge [sflag:s5], $0x1000;
	s12 =	simm.s32 @!p0 $0x0  }
0x2f: {  	[sflag:s5] =	ssyncset.done $0x0;
	s13 =	sshll.u32 s12, $0xC  }
0x30: {  	[sflag:s5] =	ssyncadd.s32 $0xFFFFF000;
	s16 =	sor.u32 $0x10, s13  }
0x31: {  	s12 =	smul.u32 $0x4080, s12;
	v1 =	vld [tilespmem:s16+$0x0]  }
0x32: {  	s30 =	sand.u32 $0x1, s10;
	v0 =	vld [tilespmem:s16+$0xFFFFFFF0]  }
0x33: {  	s13 =	smul.u32 $0x4080, s30;
	s12 =	sshrl.u32 s12, $0x2  }
0x34: {  	s14 =	sor.u32 $0x2000, s12  }
0x35: {  	s31 =	sshrl.u32 s13, $0x2;
	s13 =	sadd.s32 $0x0, s14  }
0x36: {  	s15 =	simm.s32 $0x4;
	s16 =	sadd.s32 $0x20, s16;
	s12 =	sor.u32 $0x2000, s31;
	[tilespmem:s13+$0x810 ss:$0x81] =	vst.msk $0xffff, v1  }
.LBB1_3:
0x37: {  	v1 =	vld [tilespmem:s16+$0x0];
	p1 =	sne.s32 s15, $0x1FC;
	[tilespmem:s13+$0x0 ss:$0x81] =	vst.msk $0xffff, v0;
	s13 =	smov.u32 s15;
	s15 =	sadd.s32 $0x4, s15  }
.Ltmp3:
0x38: {  	v0 =	vld [tilespmem:s16+$0xFFFFFFF0];
	(pc) =	sbr.rel @p1 .LBB1_3-.Ltmp3, $4  }
0x39: {  	_ = 	snop  }
0x3a: {  	s13 =	sshra.s32 s13, $0x2  }
0x3b: {  	s13 =	sadd.s32 s13, s14  }
0x3c: {  	s16 =	sadd.s32 $0x20, s16;
	[tilespmem:s13+$0x810 ss:$0x81] =	vst.msk $0xffff, v1  }
.Ltmp4:
0x3d: {  	_ = 	snop;
	(pc) =	sbr.rel .LBB1_4-.Ltmp4, $1  }
0x3e: {  	_ =	sdelay $0x3  }
.LBB1_6:
0x3f: {  	_ =	sfence.sel $0x180000  }
0x40: {  	s2 =	simm.s32 $0x1;
	[bflag:$0x0] =	sbarrier.arrive $0xFFFF  }
0x41: {  	s31 =	simm.s32 $0x2;
	[sflag:s2] =	ssyncpa.u1 $0x1  }
0x42: {  	[sflag:s31] =	ssyncpa.u1 $0x1  }
0x43: {  	p0 =	sne.s32 s0, $0x0;
	_ =	strace $0x9000004A  }
0x44: {  	s0 =	sadd.s32 @!p0 $0x100000, s1;
	[bflag:$0x2] =	sbarrier.arrive $0xFFFF  }
0x45: {  	[sflag:s0] =	ssyncadd.tile.s32 @!p0 $0x1;
	_ =	shalt  }
.Lfunc_end1:
_tile_overlayer_lowered:
.L_overlay_start_2:
0x46: {  	(tag) =	ssettag $0x2  }
0x47: {  	s0 =	rddreg [dreg:$0x0];
	s2 =	stileid.u32  }
0x48: {  	s1 =	rddreg [dreg:$0x1];
	p0 =	sne.s32 s2, $0x0  }
0x49: {  	s3 =	rddreg [dreg:$0x2];
	[bflag:$0x3] =	sbarrier.arrive $0xFFFF;
	s2 =	simm.s32 @!p0 $0x1C01  }
0x4a: {  	[timem:s3], [sflag:s2] =	dma.local @!p0 [hbm:s0], s1  }
0x4b: {  	s0 =	simm.s32 @!p0 $0x1  }
0x4c: {  	_ =	swait.ge @!p0 [sflag:s0], s1  }
0x4d: {  	s1 =	ssub.s32 @!p0 $0x0, s1;
	[sflag:s0] =	ssyncset.done @!p0 $0x0  }
0x4e: {  	[sflag:s0] =	ssyncadd.s32 @!p0 s1  }
0x4f: {  	[bflag:$0x3] =	sbarrier.arrive $0xFFFF  }
0x50: {  	_ =	shalt  }

</sc_bundles>
